<compile_context>
chip_gen: v7x
topology: tpu7x:2x2x1
jax: 0.10.2.dev20260603
libtpu: 0.0.44.dev20260713+nightly
codegen_flags: <defaults>
</compile_context>

<pallas_src>
import functools

import jax
import jax.numpy as jnp
from jax import lax
from jax.experimental import pallas as pl
from jax.experimental.pallas import tpu as pltpu
from jax.experimental.pallas import tpu_sc as plsc

LANES = 16
NC, NS = 2, 16
NW = NC * NS


def _make_sc_gather_sum(n: int, d: int):
    vpr = d // LANES
    main = (n // (NW * 8)) * 8
    tail = n - main * NW
    blk = 8
    for cand in range(128, 0, -8):
        if main % cand == 0:
            blk = cand
            break
    steps = main // blk
    mesh = plsc.VectorSubcoreMesh(core_axis_name="c", subcore_axis_name="s")

    @functools.partial(
        pl.kernel,
        mesh=mesh,
        out_type=jax.ShapeDtypeStruct((NW, d), jnp.float32),
        scratch_types=[
            pltpu.VMEM((main,), jnp.int32),
            pltpu.VMEM((blk, d), jnp.float32),
            pltpu.VMEM((max(tail, 8),), jnp.int32),
            pltpu.VMEM((d,), jnp.float32),
            pltpu.SemaphoreType.DMA,
            pltpu.SemaphoreType.DMA,
        ],
    )
    def gather_sum(table_hbm, idx_hbm, out_hbm,
                   idx_v, rows, idx_t, acc_v, sem, sem_t):
        wid = lax.axis_index("s") * NC + lax.axis_index("c")
        base = wid * main
        idx_cp = pltpu.async_copy(idx_hbm.at[pl.ds(base, main)], idx_v,
                                  sem_t)

        zero = jnp.zeros((LANES,), jnp.float32)

        @plsc.parallel_loop(0, blk, step=1)
        def _(r):
            for j in range(vpr):
                rows[r, pl.ds(j * LANES, LANES)] = zero

        idx_cp.wait()
        cps = [
            pltpu.async_copy(
                table_hbm.at[idx_v.at[pl.ds(g * blk, blk)]],
                rows, sem, add=True)
            for g in range(steps)
        ]
        if tail:
            assert tail % 8 == 0
            ntw = tail // 8

            @pl.when(wid < ntw)
            def _():
                pltpu.sync_copy(
                    idx_hbm.at[pl.ds(NW * main + wid * 8, 8)],
                    idx_t.at[pl.ds(0, 8)])
                pltpu.async_copy(table_hbm.at[idx_t.at[pl.ds(0, 8)]],
                                 rows.at[pl.ds(0, 8)], sem_t,
                                 add=True).wait()
        for cp in cps:
            cp.wait()

        def accum(rows, nrows, acc, unroll=4):
            def body(i, a):
                for u in range(unroll):
                    r = i * unroll + u
                    a = tuple(a[j] + rows[r, pl.ds(j * LANES, LANES)]
                              for j in range(vpr))
                return a
            assert nrows % unroll == 0
            return lax.fori_loop(0, nrows // unroll, body, acc)

        acc = accum(rows, blk, tuple(zero for _ in range(vpr)))

        for j in range(vpr):
            acc_v[pl.ds(j * LANES, LANES)] = acc[j]
        pltpu.sync_copy(acc_v, out_hbm.at[wid])

    return gather_sum


def _tc_finish(partials, w, bias2d, n):
    def body(p_ref, w_ref, b_ref, o_ref):
        pw = jnp.dot(p_ref[...], w_ref[...], preferred_element_type=jnp.float32)
        o_ref[...] = (jnp.sum(pw, axis=0, keepdims=True)
                      + jnp.float32(n) * b_ref[...])

    return pl.pallas_call(
        body,
        out_shape=jax.ShapeDtypeStruct((1, partials.shape[1]), jnp.float32),
    )(partials, w, bias2d)


def kernel(medicine_it, m_embeddings, W, bias):
    n = medicine_it.shape[0]
    d = m_embeddings.shape[1]
    partials = _make_sc_gather_sum(n, d)(m_embeddings, medicine_it)
    out = _tc_finish(partials, W, bias.reshape(1, d), n)
    return out.reshape(1, 1, d)

# --- scband reference (transcript-rebuilt; emitter-appended) ---
"""Pipeline reference for scband-one-hypergraph-40218073760240 (READ-ONLY COPY).

The authoritative reference and input builder live on the scoring server;
editing this copy changes nothing except your own understanding.
"""

import jax, jax.numpy as jnp
import numpy as np

IN_CH = 128
OUT_CH = 128
N_TABLE = 100000
N_SEL = 50000


def setup_inputs(seed: int = 0) -> dict:
    key = jax.random.key(seed)
    k1, k2, k3 = jax.random.split(key, 3)
    m_embeddings = jax.random.normal(k1, (N_TABLE, IN_CH), dtype=jnp.float32)
    medicine_it = jax.random.randint(k2, (N_SEL,), 0, N_TABLE, dtype=jnp.int32)
    # HypergraphConv params: lin weight (no bias) + output bias (PyG defaults, heads=1)
    W = jax.random.normal(k3, (IN_CH, OUT_CH), dtype=jnp.float32) / jnp.sqrt(IN_CH)
    bias = jnp.zeros((OUT_CH,), dtype=jnp.float32)
    return {"medicine_it": medicine_it, "m_embeddings": m_embeddings, "W": W, "bias": bias}


def hypergraph_conv(x, hyperedge_index, W, bias, num_edges):
    # Faithful port of torch_geometric HypergraphConv (use_attention=False, heads=1)
    num_nodes = x.shape[0]
    node_idx = hyperedge_index[0]
    edge_idx = hyperedge_index[1]
    hyperedge_weight = jnp.ones((num_edges,), dtype=x.dtype)
    D = jax.ops.segment_sum(hyperedge_weight[edge_idx], node_idx, num_segments=num_nodes)
    D = jnp.where(D == 0, 0.0, 1.0 / D)
    B = jax.ops.segment_sum(jnp.ones(node_idx.shape, dtype=x.dtype), edge_idx, num_segments=num_edges)
    B = jnp.where(B == 0, 0.0, 1.0 / B)
    x = x @ W
    # propagate 1: node -> hyperedge, message = B[e] * x[v], sum-aggregate by edge
    msg1 = B[edge_idx][:, None] * x[node_idx]
    edge_feat = jax.ops.segment_sum(msg1, edge_idx, num_segments=num_edges)
    # propagate 2: hyperedge -> node, message = D[v] * edge_feat[e], sum-aggregate by node
    msg2 = D[node_idx][:, None] * edge_feat[edge_idx]
    out = jax.ops.segment_sum(msg2, node_idx, num_segments=num_nodes)
    return out + bias


def reference(medicine_it, m_embeddings, W, bias):
    n = medicine_it.shape[0]
    # medicine_hyperedge_index = [[0..n-1], [0]*n]: one hyperedge containing all selected nodes
    hyperedge_index = jnp.stack([jnp.arange(n, dtype=jnp.int32), jnp.zeros((n,), dtype=jnp.int32)])
    med_embedding = m_embeddings[medicine_it]
    rep = hypergraph_conv(med_embedding, hyperedge_index, W, bias, num_edges=1)
    # output(): sum over all node representations -> [1, out_channels], then unsqueeze(0)
    med = jnp.sum(rep, axis=0, keepdims=True)[None]
    return med

if __name__ == "__main__":
    import jax
    _d = setup_inputs()
    print(jax.jit(kernel)(*tuple(_d.values())))

</pallas_src>

<mosaic_0001>
#map = affine_map<(d0, d1) -> (0, 0)>
#map1 = affine_map<(d0, d1) -> (0)>
module attributes {stable_mosaic.version = 14 : i64} {
  func.func @gather_sum(%arg0: i32, %arg1: i32, %arg2: memref<100000x128xf32, #tpu.memory_space<hbm>>, %arg3: memref<50000xi32, #tpu.memory_space<hbm>>, %arg4: memref<32x128xf32, #tpu.memory_space<hbm>>, %arg5: memref<1560xi32, #tpu.memory_space<vmem>>, %arg6: memref<120x128xf32, #tpu.memory_space<vmem>>, %arg7: memref<80xi32, #tpu.memory_space<vmem>>, %arg8: memref<128xf32, #tpu.memory_space<vmem>>, %arg9: memref<!tpu.dma_semaphore, #tpu.memory_space<semaphore_mem>>, %arg10: memref<!tpu.dma_semaphore, #tpu.memory_space<semaphore_mem>>) attributes {dimension_semantics = [#tpu.dimension_semantics<core_parallel>, #tpu.dimension_semantics<subcore_parallel>], iteration_bounds = array<i64: 2, 16>, scalar_prefetch = 0 : i64, scratch_operands = 6 : i64, tpu.core_type = #tpu.core_type<sc_vector_subcore>, window_params = [{transform_indices = #map}, {transform_indices = #map1}, {transform_indices = #map}]} {
    %mul3A = arith.constant 2 : i32
    %mul3A_0 = arith.muli %arg1, %mul3A : i32
    %add3A = arith.addi %mul3A_0, %arg0 : i32
    %mul3A_1 = arith.constant 1560 : i32
    %mul3A_2 = arith.muli %add3A, %mul3A_1 : i32
    %dma_start3A = tpu.memref_slice %arg3[%mul3A_2] : memref<50000xi32, #tpu.memory_space<hbm>> -> memref<1560xi32, #tpu.memory_space<hbm>>
    %dma_start3A_3 = tpu.memref_slice %arg3[%mul3A_2] : memref<50000xi32, #tpu.memory_space<hbm>> -> memref<1560xi32, #tpu.memory_space<hbm>>
    tpu.enqueue_dma source(%dma_start3A_3 : memref<1560xi32, #tpu.memory_space<hbm>>) target(%arg5 : memref<1560xi32, #tpu.memory_space<vmem>>) target_semaphore(%arg10 : memref<!tpu.dma_semaphore, #tpu.memory_space<semaphore_mem>>)
    %broadcast_in_dim3A = arith.constant 0.000000e+00 : f32
    %broadcast_in_dim3A_4 = vector.broadcast %broadcast_in_dim3A : f32 to vector<16xf32>
    %parallel_loop3A = arith.constant 0 : i32
    %parallel_loop3A_5 = arith.constant 120 : i32
    %parallel_loop3A_6 = arith.constant 1 : i32
    scf.for %parallel_loop3A_176 = %parallel_loop3A to %parallel_loop3A_5 step %parallel_loop3A_6  : i32 {
      %parallel_loop3A_177 = arith.index_cast %parallel_loop3A_176 : i32 to index
      %parallel_loop3A_178 = arith.constant 0 : index
      %parallel_loop3A_179 = tpu.vector_load %arg6[%parallel_loop3A_177, %parallel_loop3A_178] {strides = array<i32>} : memref<120x128xf32, #tpu.memory_space<vmem>>, vector<1x16xf32>,
      %parallel_loop3A_180 = vector.shape_cast %parallel_loop3A_179 : vector<1x16xf32> to vector<16xf32>
      %parallel_loop3A_181 = vector.shape_cast %broadcast_in_dim3A_4 : vector<16xf32> to vector<1x16xf32>
      tpu.vector_store %arg6[%parallel_loop3A_177, %parallel_loop3A_178], %parallel_loop3A_181 {strides = array<i32>} : memref<120x128xf32, #tpu.memory_space<vmem>>, vector<1x16xf32>,
      %parallel_loop3A_182 = arith.index_cast %parallel_loop3A_176 : i32 to index
      %parallel_loop3A_183 = arith.constant 16 : index
      %parallel_loop3A_184 = tpu.vector_load %arg6[%parallel_loop3A_182, %parallel_loop3A_183] {strides = array<i32>} : memref<120x128xf32, #tpu.memory_space<vmem>>, vector<1x16xf32>,
      %parallel_loop3A_185 = vector.shape_cast %parallel_loop3A_184 : vector<1x16xf32> to vector<16xf32>
      %parallel_loop3A_186 = vector.shape_cast %broadcast_in_dim3A_4 : vector<16xf32> to vector<1x16xf32>
      tpu.vector_store %arg6[%parallel_loop3A_182, %parallel_loop3A_183], %parallel_loop3A_186 {strides = array<i32>} : memref<120x128xf32, #tpu.memory_space<vmem>>, vector<1x16xf32>,
      %parallel_loop3A_187 = arith.index_cast %parallel_loop3A_176 : i32 to index
      %parallel_loop3A_188 = arith.constant 32 : index
      %parallel_loop3A_189 = tpu.vector_load %arg6[%parallel_loop3A_187, %parallel_loop3A_188] {strides = array<i32>} : memref<120x128xf32, #tpu.memory_space<vmem>>, vector<1x16xf32>,
      %parallel_loop3A_190 = vector.shape_cast %parallel_loop3A_189 : vector<1x16xf32> to vector<16xf32>
      %parallel_loop3A_191 = vector.shape_cast %broadcast_in_dim3A_4 : vector<16xf32> to vector<1x16xf32>
      tpu.vector_store %arg6[%parallel_loop3A_187, %parallel_loop3A_188], %parallel_loop3A_191 {strides = array<i32>} : memref<120x128xf32, #tpu.memory_space<vmem>>, vector<1x16xf32>,
      %parallel_loop3A_192 = arith.index_cast %parallel_loop3A_176 : i32 to index
      %parallel_loop3A_193 = arith.constant 48 : index
      %parallel_loop3A_194 = tpu.vector_load %arg6[%parallel_loop3A_192, %parallel_loop3A_193] {strides = array<i32>} : memref<120x128xf32, #tpu.memory_space<vmem>>, vector<1x16xf32>,
      %parallel_loop3A_195 = vector.shape_cast %parallel_loop3A_194 : vector<1x16xf32> to vector<16xf32>
      %parallel_loop3A_196 = vector.shape_cast %broadcast_in_dim3A_4 : vector<16xf32> to vector<1x16xf32>
      tpu.vector_store %arg6[%parallel_loop3A_192, %parallel_loop3A_193], %parallel_loop3A_196 {strides = array<i32>} : memref<120x128xf32, #tpu.memory_space<vmem>>, vector<1x16xf32>,
      %parallel_loop3A_197 = arith.index_cast %parallel_loop3A_176 : i32 to index
      %parallel_loop3A_198 = arith.constant 64 : index
      %parallel_loop3A_199 = tpu.vector_load %arg6[%parallel_loop3A_197, %parallel_loop3A_198] {strides = array<i32>} : memref<120x128xf32, #tpu.memory_space<vmem>>, vector<1x16xf32>,
      %parallel_loop3A_200 = vector.shape_cast %parallel_loop3A_199 : vector<1x16xf32> to vector<16xf32>
      %parallel_loop3A_201 = vector.shape_cast %broadcast_in_dim3A_4 : vector<16xf32> to vector<1x16xf32>
      tpu.vector_store %arg6[%parallel_loop3A_197, %parallel_loop3A_198], %parallel_loop3A_201 {strides = array<i32>} : memref<120x128xf32, #tpu.memory_space<vmem>>, vector<1x16xf32>,
      %parallel_loop3A_202 = arith.index_cast %parallel_loop3A_176 : i32 to index
      %parallel_loop3A_203 = arith.constant 80 : index
      %parallel_loop3A_204 = tpu.vector_load %arg6[%parallel_loop3A_202, %parallel_loop3A_203] {strides = array<i32>} : memref<120x128xf32, #tpu.memory_space<vmem>>, vector<1x16xf32>,
      %parallel_loop3A_205 = vector.shape_cast %parallel_loop3A_204 : vector<1x16xf32> to vector<16xf32>
      %parallel_loop3A_206 = vector.shape_cast %broadcast_in_dim3A_4 : vector<16xf32> to vector<1x16xf32>
      tpu.vector_store %arg6[%parallel_loop3A_202, %parallel_loop3A_203], %parallel_loop3A_206 {strides = array<i32>} : memref<120x128xf32, #tpu.memory_space<vmem>>, vector<1x16xf32>,
      %parallel_loop3A_207 = arith.index_cast %parallel_loop3A_176 : i32 to index
      %parallel_loop3A_208 = arith.constant 96 : index
      %parallel_loop3A_209 = tpu.vector_load %arg6[%parallel_loop3A_207, %parallel_loop3A_208] {strides = array<i32>} : memref<120x128xf32, #tpu.memory_space<vmem>>, vector<1x16xf32>,
      %parallel_loop3A_210 = vector.shape_cast %parallel_loop3A_209 : vector<1x16xf32> to vector<16xf32>
      %parallel_loop3A_211 = vector.shape_cast %broadcast_in_dim3A_4 : vector<16xf32> to vector<1x16xf32>
      tpu.vector_store %arg6[%parallel_loop3A_207, %parallel_loop3A_208], %parallel_loop3A_211 {strides = array<i32>} : memref<120x128xf32, #tpu.memory_space<vmem>>, vector<1x16xf32>,
      %parallel_loop3A_212 = arith.index_cast %parallel_loop3A_176 : i32 to index
      %parallel_loop3A_213 = arith.constant 112 : index
      %parallel_loop3A_214 = tpu.vector_load %arg6[%parallel_loop3A_212, %parallel_loop3A_213] {strides = array<i32>} : memref<120x128xf32, #tpu.memory_space<vmem>>, vector<1x16xf32>,
      %parallel_loop3A_215 = vector.shape_cast %parallel_loop3A_214 : vector<1x16xf32> to vector<16xf32>
      %parallel_loop3A_216 = vector.shape_cast %broadcast_in_dim3A_4 : vector<16xf32> to vector<1x16xf32>
      tpu.vector_store %arg6[%parallel_loop3A_212, %parallel_loop3A_213], %parallel_loop3A_216 {strides = array<i32>} : memref<120x128xf32, #tpu.memory_space<vmem>>, vector<1x16xf32>,
    } {sc.loop_unroll_factor = 1 : i64, sc.parallel_access}
    %dma_wait3A = tpu.memref_slice %arg3[%mul3A_2] : memref<50000xi32, #tpu.memory_space<hbm>> -> memref<1560xi32, #tpu.memory_space<hbm>>
    %dma_wait3A_7 = tpu.memref_slice %arg3[%mul3A_2] : memref<50000xi32, #tpu.memory_space<hbm>> -> memref<1560xi32, #tpu.memory_space<hbm>>
    tpu.wait_dma2 semaphore(%arg10 : memref<!tpu.dma_semaphore, #tpu.memory_space<semaphore_mem>>) src(%dma_wait3A_7 : memref<1560xi32, #tpu.memory_space<hbm>>) dst(%arg5 : memref<1560xi32, #tpu.memory_space<vmem>>)
    %dma_start3A_8 = arith.constant 0 : i32
    %dma_start3A_9 = tpu.memref_slice %arg5[%dma_start3A_8] : memref<1560xi32, #tpu.memory_space<vmem>> -> memref<120xi32, #tpu.memory_space<vmem>>
    %dma_start3A_10 = arith.constant 0 : i32
    %dma_start3A_11 = arith.constant 0 : i32
    %dma_start3A_12 = tpu.memref_slice %arg2[%dma_start3A_10, %dma_start3A_11] : memref<100000x128xf32, #tpu.memory_space<hbm>> -> memref<100000x128xf32, #tpu.memory_space<hbm>>
    tpu.enqueue_indirect_dma source(%dma_start3A_12 : memref<100000x128xf32, #tpu.memory_space<hbm>>) target(%arg6 : memref<120x128xf32, #tpu.memory_space<vmem>>) offsets(%dma_start3A_9 : memref<120xi32, #tpu.memory_space<vmem>>) semaphore(%arg9 : memref<!tpu.dma_semaphore, #tpu.memory_space<semaphore_mem>>) {add = true}
    %dma_start3A_13 = arith.constant 120 : i32
    %dma_start3A_14 = tpu.memref_slice %arg5[%dma_start3A_13] : memref<1560xi32, #tpu.memory_space<vmem>> -> memref<120xi32, #tpu.memory_space<vmem>>
    %dma_start3A_15 = arith.constant 0 : i32
    %dma_start3A_16 = arith.constant 0 : i32
    %dma_start3A_17 = tpu.memref_slice %arg2[%dma_start3A_15, %dma_start3A_16] : memref<100000x128xf32, #tpu.memory_space<hbm>> -> memref<100000x128xf32, #tpu.memory_space<hbm>>
    tpu.enqueue_indirect_dma source(%dma_start3A_17 : memref<100000x128xf32, #tpu.memory_space<hbm>>) target(%arg6 : memref<120x128xf32, #tpu.memory_space<vmem>>) offsets(%dma_start3A_14 : memref<120xi32, #tpu.memory_space<vmem>>) semaphore(%arg9 : memref<!tpu.dma_semaphore, #tpu.memory_space<semaphore_mem>>) {add = true}
    %dma_start3A_18 = arith.constant 240 : i32
    %dma_start3A_19 = tpu.memref_slice %arg5[%dma_start3A_18] : memref<1560xi32, #tpu.memory_space<vmem>> -> memref<120xi32, #tpu.memory_space<vmem>>
    %dma_start3A_20 = arith.constant 0 : i32
    %dma_start3A_21 = arith.constant 0 : i32
    %dma_start3A_22 = tpu.memref_slice %arg2[%dma_start3A_20, %dma_start3A_21] : memref<100000x128xf32, #tpu.memory_space<hbm>> -> memref<100000x128xf32, #tpu.memory_space<hbm>>
    tpu.enqueue_indirect_dma source(%dma_start3A_22 : memref<100000x128xf32, #tpu.memory_space<hbm>>) target(%arg6 : memref<120x128xf32, #tpu.memory_space<vmem>>) offsets(%dma_start3A_19 : memref<120xi32, #tpu.memory_space<vmem>>) semaphore(%arg9 : memref<!tpu.dma_semaphore, #tpu.memory_space<semaphore_mem>>) {add = true}
    %dma_start3A_23 = arith.constant 360 : i32
    %dma_start3A_24 = tpu.memref_slice %arg5[%dma_start3A_23] : memref<1560xi32, #tpu.memory_space<vmem>> -> memref<120xi32, #tpu.memory_space<vmem>>
    %dma_start3A_25 = arith.constant 0 : i32
    %dma_start3A_26 = arith.constant 0 : i32
    %dma_start3A_27 = tpu.memref_slice %arg2[%dma_start3A_25, %dma_start3A_26] : memref<100000x128xf32, #tpu.memory_space<hbm>> -> memref<100000x128xf32, #tpu.memory_space<hbm>>
    tpu.enqueue_indirect_dma source(%dma_start3A_27 : memref<100000x128xf32, #tpu.memory_space<hbm>>) target(%arg6 : memref<120x128xf32, #tpu.memory_space<vmem>>) offsets(%dma_start3A_24 : memref<120xi32, #tpu.memory_space<vmem>>) semaphore(%arg9 : memref<!tpu.dma_semaphore, #tpu.memory_space<semaphore_mem>>) {add = true}
    %dma_start3A_28 = arith.constant 480 : i32
    %dma_start3A_29 = tpu.memref_slice %arg5[%dma_start3A_28] : memref<1560xi32, #tpu.memory_space<vmem>> -> memref<120xi32, #tpu.memory_space<vmem>>
    %dma_start3A_30 = arith.constant 0 : i32
    %dma_start3A_31 = arith.constant 0 : i32
    %dma_start3A_32 = tpu.memref_slice %arg2[%dma_start3A_30, %dma_start3A_31] : memref<100000x128xf32, #tpu.memory_space<hbm>> -> memref<100000x128xf32, #tpu.memory_space<hbm>>
    tpu.enqueue_indirect_dma source(%dma_start3A_32 : memref<100000x128xf32, #tpu.memory_space<hbm>>) target(%arg6 : memref<120x128xf32, #tpu.memory_space<vmem>>) offsets(%dma_start3A_29 : memref<120xi32, #tpu.memory_space<vmem>>) semaphore(%arg9 : memref<!tpu.dma_semaphore, #tpu.memory_space<semaphore_mem>>) {add = true}
    %dma_start3A_33 = arith.constant 600 : i32
    %dma_start3A_34 = tpu.memref_slice %arg5[%dma_start3A_33] : memref<1560xi32, #tpu.memory_space<vmem>> -> memref<120xi32, #tpu.memory_space<vmem>>
    %dma_start3A_35 = arith.constant 0 : i32
    %dma_start3A_36 = arith.constant 0 : i32
    %dma_start3A_37 = tpu.memref_slice %arg2[%dma_start3A_35, %dma_start3A_36] : memref<100000x128xf32, #tpu.memory_space<hbm>> -> memref<100000x128xf32, #tpu.memory_space<hbm>>
    tpu.enqueue_indirect_dma source(%dma_start3A_37 : memref<100000x128xf32, #tpu.memory_space<hbm>>) target(%arg6 : memref<120x128xf32, #tpu.memory_space<vmem>>) offsets(%dma_start3A_34 : memref<120xi32, #tpu.memory_space<vmem>>) semaphore(%arg9 : memref<!tpu.dma_semaphore, #tpu.memory_space<semaphore_mem>>) {add = true}
    %dma_start3A_38 = arith.constant 720 : i32
    %dma_start3A_39 = tpu.memref_slice %arg5[%dma_start3A_38] : memref<1560xi32, #tpu.memory_space<vmem>> -> memref<120xi32, #tpu.memory_space<vmem>>
    %dma_start3A_40 = arith.constant 0 : i32
    %dma_start3A_41 = arith.constant 0 : i32
    %dma_start3A_42 = tpu.memref_slice %arg2[%dma_start3A_40, %dma_start3A_41] : memref<100000x128xf32, #tpu.memory_space<hbm>> -> memref<100000x128xf32, #tpu.memory_space<hbm>>
    tpu.enqueue_indirect_dma source(%dma_start3A_42 : memref<100000x128xf32, #tpu.memory_space<hbm>>) target(%arg6 : memref<120x128xf32, #tpu.memory_space<vmem>>) offsets(%dma_start3A_39 : memref<120xi32, #tpu.memory_space<vmem>>) semaphore(%arg9 : memref<!tpu.dma_semaphore, #tpu.memory_space<semaphore_mem>>) {add = true}
    %dma_start3A_43 = arith.constant 840 : i32
    %dma_start3A_44 = tpu.memref_slice %arg5[%dma_start3A_43] : memref<1560xi32, #tpu.memory_space<vmem>> -> memref<120xi32, #tpu.memory_space<vmem>>
    %dma_start3A_45 = arith.constant 0 : i32
    %dma_start3A_46 = arith.constant 0 : i32
    %dma_start3A_47 = tpu.memref_slice %arg2[%dma_start3A_45, %dma_start3A_46] : memref<100000x128xf32, #tpu.memory_space<hbm>> -> memref<100000x128xf32, #tpu.memory_space<hbm>>
    tpu.enqueue_indirect_dma source(%dma_start3A_47 : memref<100000x128xf32, #tpu.memory_space<hbm>>) target(%arg6 : memref<120x128xf32, #tpu.memory_space<vmem>>) offsets(%dma_start3A_44 : memref<120xi32, #tpu.memory_space<vmem>>) semaphore(%arg9 : memref<!tpu.dma_semaphore, #tpu.memory_space<semaphore_mem>>) {add = true}
    %dma_start3A_48 = arith.constant 960 : i32
    %dma_start3A_49 = tpu.memref_slice %arg5[%dma_start3A_48] : memref<1560xi32, #tpu.memory_space<vmem>> -> memref<120xi32, #tpu.memory_space<vmem>>
    %dma_start3A_50 = arith.constant 0 : i32
    %dma_start3A_51 = arith.constant 0 : i32
    %dma_start3A_52 = tpu.memref_slice %arg2[%dma_start3A_50, %dma_start3A_51] : memref<100000x128xf32, #tpu.memory_space<hbm>> -> memref<100000x128xf32, #tpu.memory_space<hbm>>
    tpu.enqueue_indirect_dma source(%dma_start3A_52 : memref<100000x128xf32, #tpu.memory_space<hbm>>) target(%arg6 : memref<120x128xf32, #tpu.memory_space<vmem>>) offsets(%dma_start3A_49 : memref<120xi32, #tpu.memory_space<vmem>>) semaphore(%arg9 : memref<!tpu.dma_semaphore, #tpu.memory_space<semaphore_mem>>) {add = true}
    %dma_start3A_53 = arith.constant 1080 : i32
    %dma_start3A_54 = tpu.memref_slice %arg5[%dma_start3A_53] : memref<1560xi32, #tpu.memory_space<vmem>> -> memref<120xi32, #tpu.memory_space<vmem>>
    %dma_start3A_55 = arith.constant 0 : i32
    %dma_start3A_56 = arith.constant 0 : i32
    %dma_start3A_57 = tpu.memref_slice %arg2[%dma_start3A_55, %dma_start3A_56] : memref<100000x128xf32, #tpu.memory_space<hbm>> -> memref<100000x128xf32, #tpu.memory_space<hbm>>
    tpu.enqueue_indirect_dma source(%dma_start3A_57 : memref<100000x128xf32, #tpu.memory_space<hbm>>) target(%arg6 : memref<120x128xf32, #tpu.memory_space<vmem>>) offsets(%dma_start3A_54 : memref<120xi32, #tpu.memory_space<vmem>>) semaphore(%arg9 : memref<!tpu.dma_semaphore, #tpu.memory_space<semaphore_mem>>) {add = true}
    %dma_start3A_58 = arith.constant 1200 : i32
    %dma_start3A_59 = tpu.memref_slice %arg5[%dma_start3A_58] : memref<1560xi32, #tpu.memory_space<vmem>> -> memref<120xi32, #tpu.memory_space<vmem>>
    %dma_start3A_60 = arith.constant 0 : i32
    %dma_start3A_61 = arith.constant 0 : i32
    %dma_start3A_62 = tpu.memref_slice %arg2[%dma_start3A_60, %dma_start3A_61] : memref<100000x128xf32, #tpu.memory_space<hbm>> -> memref<100000x128xf32, #tpu.memory_space<hbm>>
    tpu.enqueue_indirect_dma source(%dma_start3A_62 : memref<100000x128xf32, #tpu.memory_space<hbm>>) target(%arg6 : memref<120x128xf32, #tpu.memory_space<vmem>>) offsets(%dma_start3A_59 : memref<120xi32, #tpu.memory_space<vmem>>) semaphore(%arg9 : memref<!tpu.dma_semaphore, #tpu.memory_space<semaphore_mem>>) {add = true}
    %dma_start3A_63 = arith.constant 1320 : i32
    %dma_start3A_64 = tpu.memref_slice %arg5[%dma_start3A_63] : memref<1560xi32, #tpu.memory_space<vmem>> -> memref<120xi32, #tpu.memory_space<vmem>>
    %dma_start3A_65 = arith.constant 0 : i32
    %dma_start3A_66 = arith.constant 0 : i32
    %dma_start3A_67 = tpu.memref_slice %arg2[%dma_start3A_65, %dma_start3A_66] : memref<100000x128xf32, #tpu.memory_space<hbm>> -> memref<100000x128xf32, #tpu.memory_space<hbm>>
    tpu.enqueue_indirect_dma source(%dma_start3A_67 : memref<100000x128xf32, #tpu.memory_space<hbm>>) target(%arg6 : memref<120x128xf32, #tpu.memory_space<vmem>>) offsets(%dma_start3A_64 : memref<120xi32, #tpu.memory_space<vmem>>) semaphore(%arg9 : memref<!tpu.dma_semaphore, #tpu.memory_space<semaphore_mem>>) {add = true}
    %dma_start3A_68 = arith.constant 1440 : i32
    %dma_start3A_69 = tpu.memref_slice %arg5[%dma_start3A_68] : memref<1560xi32, #tpu.memory_space<vmem>> -> memref<120xi32, #tpu.memory_space<vmem>>
    %dma_start3A_70 = arith.constant 0 : i32
    %dma_start3A_71 = arith.constant 0 : i32
    %dma_start3A_72 = tpu.memref_slice %arg2[%dma_start3A_70, %dma_start3A_71] : memref<100000x128xf32, #tpu.memory_space<hbm>> -> memref<100000x128xf32, #tpu.memory_space<hbm>>
    tpu.enqueue_indirect_dma source(%dma_start3A_72 : memref<100000x128xf32, #tpu.memory_space<hbm>>) target(%arg6 : memref<120x128xf32, #tpu.memory_space<vmem>>) offsets(%dma_start3A_69 : memref<120xi32, #tpu.memory_space<vmem>>) semaphore(%arg9 : memref<!tpu.dma_semaphore, #tpu.memory_space<semaphore_mem>>) {add = true}
    %lt3A = arith.constant 10 : i32
    %lt3A_73 = arith.cmpi slt, %add3A, %lt3A : i32
    %convert_element_type3A = arith.extui %lt3A_73 : i1 to i32
    %cond3A = arith.constant 0 : i32
    %cond3A_74 = arith.cmpi ne, %convert_element_type3A, %cond3A : i32
    scf.if %cond3A_74 {
      %mul3A_176 = arith.constant 8 : i32
      %mul3A_177 = arith.muli %add3A, %mul3A_176 : i32
      %add3A_178 = arith.constant 49920 : i32
      %add3A_179 = arith.addi %add3A_178, %mul3A_177 : i32
      "tpu.region"() ({
        %run_scoped3A = tpu.sem_alloc : memref<!tpu.dma_semaphore, #tpu.memory_space<semaphore_mem>>
        %dma_start3A_196 = arith.constant 0 : i32
        %dma_start3A_197 = tpu.memref_slice %arg7[%dma_start3A_196] : memref<80xi32, #tpu.memory_space<vmem>> -> memref<8xi32, #tpu.memory_space<vmem>>
        %dma_start3A_198 = tpu.memref_slice %arg3[%add3A_179] : memref<50000xi32, #tpu.memory_space<hbm>> -> memref<8xi32, #tpu.memory_space<hbm>>
        %dma_start3A_199 = arith.constant 0 : i32
        %dma_start3A_200 = tpu.memref_slice %arg7[%dma_start3A_199] : memref<80xi32, #tpu.memory_space<vmem>> -> memref<8xi32, #tpu.memory_space<vmem>>
        %dma_start3A_201 = tpu.memref_slice %arg3[%add3A_179] : memref<50000xi32, #tpu.memory_space<hbm>> -> memref<8xi32, #tpu.memory_space<hbm>>
        tpu.enqueue_dma source(%dma_start3A_201 : memref<8xi32, #tpu.memory_space<hbm>>) target(%dma_start3A_200 : memref<8xi32, #tpu.memory_space<vmem>>) target_semaphore(%run_scoped3A : memref<!tpu.dma_semaphore, #tpu.memory_space<semaphore_mem>>)
        %dma_wait3A_202 = arith.constant 0 : i32
        %dma_wait3A_203 = tpu.memref_slice %arg7[%dma_wait3A_202] : memref<80xi32, #tpu.memory_space<vmem>> -> memref<8xi32, #tpu.memory_space<vmem>>
        %dma_wait3A_204 = tpu.memref_slice %arg3[%add3A_179] : memref<50000xi32, #tpu.memory_space<hbm>> -> memref<8xi32, #tpu.memory_space<hbm>>
        %dma_wait3A_205 = arith.constant 0 : i32
        %dma_wait3A_206 = tpu.memref_slice %arg7[%dma_wait3A_205] : memref<80xi32, #tpu.memory_space<vmem>> -> memref<8xi32, #tpu.memory_space<vmem>>
        %dma_wait3A_207 = tpu.memref_slice %arg3[%add3A_179] : memref<50000xi32, #tpu.memory_space<hbm>> -> memref<8xi32, #tpu.memory_space<hbm>>
        tpu.wait_dma2 semaphore(%run_scoped3A : memref<!tpu.dma_semaphore, #tpu.memory_space<semaphore_mem>>) src(%dma_wait3A_207 : memref<8xi32, #tpu.memory_space<hbm>>) dst(%dma_wait3A_206 : memref<8xi32, #tpu.memory_space<vmem>>)
        tpu.yield
      }) : () -> ()
      %dma_start3A_180 = arith.constant 0 : i32
      %dma_start3A_181 = arith.constant 0 : i32
      %dma_start3A_182 = tpu.memref_slice %arg6[%dma_start3A_180, %dma_start3A_181] : memref<120x128xf32, #tpu.memory_space<vmem>> -> memref<8x128xf32, #tpu.memory_space<vmem>>
      %dma_start3A_183 = arith.constant 0 : i32
      %dma_start3A_184 = tpu.memref_slice %arg7[%dma_start3A_183] : memref<80xi32, #tpu.memory_space<vmem>> -> memref<8xi32, #tpu.memory_space<vmem>>
      %dma_start3A_185 = arith.constant 0 : i32
      %dma_start3A_186 = arith.constant 0 : i32
      %dma_start3A_187 = tpu.memref_slice %arg2[%dma_start3A_185, %dma_start3A_186] : memref<100000x128xf32, #tpu.memory_space<hbm>> -> memref<100000x128xf32, #tpu.memory_space<hbm>>
      tpu.enqueue_indirect_dma source(%dma_start3A_187 : memref<100000x128xf32, #tpu.memory_space<hbm>>) target(%dma_start3A_182 : memref<8x128xf32, #tpu.memory_space<vmem>>) offsets(%dma_start3A_184 : memref<8xi32, #tpu.memory_space<vmem>>) semaphore(%arg10 : memref<!tpu.dma_semaphore, #tpu.memory_space<semaphore_mem>>) {add = true}
      %dma_wait3A_188 = arith.constant 0 : i32
      %dma_wait3A_189 = arith.constant 0 : i32
      %dma_wait3A_190 = tpu.memref_slice %arg6[%dma_wait3A_188, %dma_wait3A_189] : memref<120x128xf32, #tpu.memory_space<vmem>> -> memref<8x128xf32, #tpu.memory_space<vmem>>
      %dma_wait3A_191 = arith.constant 0 : i32
      %dma_wait3A_192 = tpu.memref_slice %arg7[%dma_wait3A_191] : memref<80xi32, #tpu.memory_space<vmem>> -> memref<8xi32, #tpu.memory_space<vmem>>
      %dma_wait3A_193 = arith.constant 0 : i32
      %dma_wait3A_194 = arith.constant 0 : i32
      %dma_wait3A_195 = tpu.memref_slice %arg2[%dma_wait3A_193, %dma_wait3A_194] : memref<100000x128xf32, #tpu.memory_space<hbm>> -> memref<100000x128xf32, #tpu.memory_space<hbm>>
      tpu.wait_indirect_dma semaphore(%arg10 : memref<!tpu.dma_semaphore, #tpu.memory_space<semaphore_mem>>) src(%dma_wait3A_195 : memref<100000x128xf32, #tpu.memory_space<hbm>>) dst(%dma_wait3A_190 : memref<8x128xf32, #tpu.memory_space<vmem>>)
    } else {
    }
    %dma_wait3A_75 = arith.constant 0 : i32
    %dma_wait3A_76 = tpu.memref_slice %arg5[%dma_wait3A_75] : memref<1560xi32, #tpu.memory_space<vmem>> -> memref<120xi32, #tpu.memory_space<vmem>>
    %dma_wait3A_77 = arith.constant 0 : i32
    %dma_wait3A_78 = arith.constant 0 : i32
    %dma_wait3A_79 = tpu.memref_slice %arg2[%dma_wait3A_77, %dma_wait3A_78] : memref<100000x128xf32, #tpu.memory_space<hbm>> -> memref<100000x128xf32, #tpu.memory_space<hbm>>
    tpu.wait_indirect_dma semaphore(%arg9 : memref<!tpu.dma_semaphore, #tpu.memory_space<semaphore_mem>>) src(%dma_wait3A_79 : memref<100000x128xf32, #tpu.memory_space<hbm>>) dst(%arg6 : memref<120x128xf32, #tpu.memory_space<vmem>>)
    %dma_wait3A_80 = arith.constant 120 : i32
    %dma_wait3A_81 = tpu.memref_slice %arg5[%dma_wait3A_80] : memref<1560xi32, #tpu.memory_space<vmem>> -> memref<120xi32, #tpu.memory_space<vmem>>
    %dma_wait3A_82 = arith.constant 0 : i32
    %dma_wait3A_83 = arith.constant 0 : i32
    %dma_wait3A_84 = tpu.memref_slice %arg2[%dma_wait3A_82, %dma_wait3A_83] : memref<100000x128xf32, #tpu.memory_space<hbm>> -> memref<100000x128xf32, #tpu.memory_space<hbm>>
    tpu.wait_indirect_dma semaphore(%arg9 : memref<!tpu.dma_semaphore, #tpu.memory_space<semaphore_mem>>) src(%dma_wait3A_84 : memref<100000x128xf32, #tpu.memory_space<hbm>>) dst(%arg6 : memref<120x128xf32, #tpu.memory_space<vmem>>)
    %dma_wait3A_85 = arith.constant 240 : i32
    %dma_wait3A_86 = tpu.memref_slice %arg5[%dma_wait3A_85] : memref<1560xi32, #tpu.memory_space<vmem>> -> memref<120xi32, #tpu.memory_space<vmem>>
    %dma_wait3A_87 = arith.constant 0 : i32
    %dma_wait3A_88 = arith.constant 0 : i32
    %dma_wait3A_89 = tpu.memref_slice %arg2[%dma_wait3A_87, %dma_wait3A_88] : memref<100000x128xf32, #tpu.memory_space<hbm>> -> memref<100000x128xf32, #tpu.memory_space<hbm>>
    tpu.wait_indirect_dma semaphore(%arg9 : memref<!tpu.dma_semaphore, #tpu.memory_space<semaphore_mem>>) src(%dma_wait3A_89 : memref<100000x128xf32, #tpu.memory_space<hbm>>) dst(%arg6 : memref<120x128xf32, #tpu.memory_space<vmem>>)
    %dma_wait3A_90 = arith.constant 360 : i32
    %dma_wait3A_91 = tpu.memref_slice %arg5[%dma_wait3A_90] : memref<1560xi32, #tpu.memory_space<vmem>> -> memref<120xi32, #tpu.memory_space<vmem>>
    %dma_wait3A_92 = arith.constant 0 : i32
    %dma_wait3A_93 = arith.constant 0 : i32
    %dma_wait3A_94 = tpu.memref_slice %arg2[%dma_wait3A_92, %dma_wait3A_93] : memref<100000x128xf32, #tpu.memory_space<hbm>> -> memref<100000x128xf32, #tpu.memory_space<hbm>>
    tpu.wait_indirect_dma semaphore(%arg9 : memref<!tpu.dma_semaphore, #tpu.memory_space<semaphore_mem>>) src(%dma_wait3A_94 : memref<100000x128xf32, #tpu.memory_space<hbm>>) dst(%arg6 : memref<120x128xf32, #tpu.memory_space<vmem>>)
    %dma_wait3A_95 = arith.constant 480 : i32
    %dma_wait3A_96 = tpu.memref_slice %arg5[%dma_wait3A_95] : memref<1560xi32, #tpu.memory_space<vmem>> -> memref<120xi32, #tpu.memory_space<vmem>>
    %dma_wait3A_97 = arith.constant 0 : i32
    %dma_wait3A_98 = arith.constant 0 : i32
    %dma_wait3A_99 = tpu.memref_slice %arg2[%dma_wait3A_97, %dma_wait3A_98] : memref<100000x128xf32, #tpu.memory_space<hbm>> -> memref<100000x128xf32, #tpu.memory_space<hbm>>
    tpu.wait_indirect_dma semaphore(%arg9 : memref<!tpu.dma_semaphore, #tpu.memory_space<semaphore_mem>>) src(%dma_wait3A_99 : memref<100000x128xf32, #tpu.memory_space<hbm>>) dst(%arg6 : memref<120x128xf32, #tpu.memory_space<vmem>>)
    %dma_wait3A_100 = arith.constant 600 : i32
    %dma_wait3A_101 = tpu.memref_slice %arg5[%dma_wait3A_100] : memref<1560xi32, #tpu.memory_space<vmem>> -> memref<120xi32, #tpu.memory_space<vmem>>
    %dma_wait3A_102 = arith.constant 0 : i32
    %dma_wait3A_103 = arith.constant 0 : i32
    %dma_wait3A_104 = tpu.memref_slice %arg2[%dma_wait3A_102, %dma_wait3A_103] : memref<100000x128xf32, #tpu.memory_space<hbm>> -> memref<100000x128xf32, #tpu.memory_space<hbm>>
    tpu.wait_indirect_dma semaphore(%arg9 : memref<!tpu.dma_semaphore, #tpu.memory_space<semaphore_mem>>) src(%dma_wait3A_104 : memref<100000x128xf32, #tpu.memory_space<hbm>>) dst(%arg6 : memref<120x128xf32, #tpu.memory_space<vmem>>)
    %dma_wait3A_105 = arith.constant 720 : i32
    %dma_wait3A_106 = tpu.memref_slice %arg5[%dma_wait3A_105] : memref<1560xi32, #tpu.memory_space<vmem>> -> memref<120xi32, #tpu.memory_space<vmem>>
    %dma_wait3A_107 = arith.constant 0 : i32
    %dma_wait3A_108 = arith.constant 0 : i32
    %dma_wait3A_109 = tpu.memref_slice %arg2[%dma_wait3A_107, %dma_wait3A_108] : memref<100000x128xf32, #tpu.memory_space<hbm>> -> memref<100000x128xf32, #tpu.memory_space<hbm>>
    tpu.wait_indirect_dma semaphore(%arg9 : memref<!tpu.dma_semaphore, #tpu.memory_space<semaphore_mem>>) src(%dma_wait3A_109 : memref<100000x128xf32, #tpu.memory_space<hbm>>) dst(%arg6 : memref<120x128xf32, #tpu.memory_space<vmem>>)
    %dma_wait3A_110 = arith.constant 840 : i32
    %dma_wait3A_111 = tpu.memref_slice %arg5[%dma_wait3A_110] : memref<1560xi32, #tpu.memory_space<vmem>> -> memref<120xi32, #tpu.memory_space<vmem>>
    %dma_wait3A_112 = arith.constant 0 : i32
    %dma_wait3A_113 = arith.constant 0 : i32
    %dma_wait3A_114 = tpu.memref_slice %arg2[%dma_wait3A_112, %dma_wait3A_113] : memref<100000x128xf32, #tpu.memory_space<hbm>> -> memref<100000x128xf32, #tpu.memory_space<hbm>>
    tpu.wait_indirect_dma semaphore(%arg9 : memref<!tpu.dma_semaphore, #tpu.memory_space<semaphore_mem>>) src(%dma_wait3A_114 : memref<100000x128xf32, #tpu.memory_space<hbm>>) dst(%arg6 : memref<120x128xf32, #tpu.memory_space<vmem>>)
    %dma_wait3A_115 = arith.constant 960 : i32
    %dma_wait3A_116 = tpu.memref_slice %arg5[%dma_wait3A_115] : memref<1560xi32, #tpu.memory_space<vmem>> -> memref<120xi32, #tpu.memory_space<vmem>>
    %dma_wait3A_117 = arith.constant 0 : i32
    %dma_wait3A_118 = arith.constant 0 : i32
    %dma_wait3A_119 = tpu.memref_slice %arg2[%dma_wait3A_117, %dma_wait3A_118] : memref<100000x128xf32, #tpu.memory_space<hbm>> -> memref<100000x128xf32, #tpu.memory_space<hbm>>
    tpu.wait_indirect_dma semaphore(%arg9 : memref<!tpu.dma_semaphore, #tpu.memory_space<semaphore_mem>>) src(%dma_wait3A_119 : memref<100000x128xf32, #tpu.memory_space<hbm>>) dst(%arg6 : memref<120x128xf32, #tpu.memory_space<vmem>>)
    %dma_wait3A_120 = arith.constant 1080 : i32
    %dma_wait3A_121 = tpu.memref_slice %arg5[%dma_wait3A_120] : memref<1560xi32, #tpu.memory_space<vmem>> -> memref<120xi32, #tpu.memory_space<vmem>>
    %dma_wait3A_122 = arith.constant 0 : i32
    %dma_wait3A_123 = arith.constant 0 : i32
    %dma_wait3A_124 = tpu.memref_slice %arg2[%dma_wait3A_122, %dma_wait3A_123] : memref<100000x128xf32, #tpu.memory_space<hbm>> -> memref<100000x128xf32, #tpu.memory_space<hbm>>
    tpu.wait_indirect_dma semaphore(%arg9 : memref<!tpu.dma_semaphore, #tpu.memory_space<semaphore_mem>>) src(%dma_wait3A_124 : memref<100000x128xf32, #tpu.memory_space<hbm>>) dst(%arg6 : memref<120x128xf32, #tpu.memory_space<vmem>>)
    %dma_wait3A_125 = arith.constant 1200 : i32
    %dma_wait3A_126 = tpu.memref_slice %arg5[%dma_wait3A_125] : memref<1560xi32, #tpu.memory_space<vmem>> -> memref<120xi32, #tpu.memory_space<vmem>>
    %dma_wait3A_127 = arith.constant 0 : i32
    %dma_wait3A_128 = arith.constant 0 : i32
    %dma_wait3A_129 = tpu.memref_slice %arg2[%dma_wait3A_127, %dma_wait3A_128] : memref<100000x128xf32, #tpu.memory_space<hbm>> -> memref<100000x128xf32, #tpu.memory_space<hbm>>
    tpu.wait_indirect_dma semaphore(%arg9 : memref<!tpu.dma_semaphore, #tpu.memory_space<semaphore_mem>>) src(%dma_wait3A_129 : memref<100000x128xf32, #tpu.memory_space<hbm>>) dst(%arg6 : memref<120x128xf32, #tpu.memory_space<vmem>>)
    %dma_wait3A_130 = arith.constant 1320 : i32
    %dma_wait3A_131 = tpu.memref_slice %arg5[%dma_wait3A_130] : memref<1560xi32, #tpu.memory_space<vmem>> -> memref<120xi32, #tpu.memory_space<vmem>>
    %dma_wait3A_132 = arith.constant 0 : i32
    %dma_wait3A_133 = arith.constant 0 : i32
    %dma_wait3A_134 = tpu.memref_slice %arg2[%dma_wait3A_132, %dma_wait3A_133] : memref<100000x128xf32, #tpu.memory_space<hbm>> -> memref<100000x128xf32, #tpu.memory_space<hbm>>
    tpu.wait_indirect_dma semaphore(%arg9 : memref<!tpu.dma_semaphore, #tpu.memory_space<semaphore_mem>>) src(%dma_wait3A_134 : memref<100000x128xf32, #tpu.memory_space<hbm>>) dst(%arg6 : memref<120x128xf32, #tpu.memory_space<vmem>>)
    %dma_wait3A_135 = arith.constant 1440 : i32
    %dma_wait3A_136 = tpu.memref_slice %arg5[%dma_wait3A_135] : memref<1560xi32, #tpu.memory_space<vmem>> -> memref<120xi32, #tpu.memory_space<vmem>>
    %dma_wait3A_137 = arith.constant 0 : i32
    %dma_wait3A_138 = arith.constant 0 : i32
    %dma_wait3A_139 = tpu.memref_slice %arg2[%dma_wait3A_137, %dma_wait3A_138] : memref<100000x128xf32, #tpu.memory_space<hbm>> -> memref<100000x128xf32, #tpu.memory_space<hbm>>
    tpu.wait_indirect_dma semaphore(%arg9 : memref<!tpu.dma_semaphore, #tpu.memory_space<semaphore_mem>>) src(%dma_wait3A_139 : memref<100000x128xf32, #tpu.memory_space<hbm>>) dst(%arg6 : memref<120x128xf32, #tpu.memory_space<vmem>>)
    %scan3A = arith.constant 0 : i32
    %scan3A_140 = arith.constant 30 : i32
    %scan3A_141 = arith.addi %scan3A, %scan3A_140 : i32
    %scan3A_142 = arith.constant 1 : i32
    %scan3A_143:8 = scf.for %scan3A_176 = %scan3A to %scan3A_141 step %scan3A_142 iter_args(%scan3A_177 = %broadcast_in_dim3A_4, %scan3A_178 = %broadcast_in_dim3A_4, %scan3A_179 = %broadcast_in_dim3A_4, %scan3A_180 = %broadcast_in_dim3A_4, %scan3A_181 = %broadcast_in_dim3A_4, %scan3A_182 = %broadcast_in_dim3A_4, %scan3A_183 = %broadcast_in_dim3A_4, %scan3A_184 = %broadcast_in_dim3A_4) -> (vector<16xf32>, vector<16xf32>, vector<16xf32>, vector<16xf32>, vector<16xf32>, vector<16xf32>, vector<16xf32>, vector<16xf32>)  : i32 {
      %mul3A_185 = arith.constant 4 : i32
      %mul3A_186 = arith.muli %scan3A_176, %mul3A_185 : i32
      %add3A_187 = arith.constant 0 : i32
      %add3A_188 = arith.addi %mul3A_186, %add3A_187 : i32
      %get3A = arith.index_cast %add3A_188 : i32 to index
      %get3A_189 = arith.constant 0 : index
      %get3A_190 = tpu.vector_load %arg6[%get3A, %get3A_189] {strides = array<i32>} : memref<120x128xf32, #tpu.memory_space<vmem>>, vector<1x16xf32>,
      %get3A_191 = vector.shape_cast %get3A_190 : vector<1x16xf32> to vector<16xf32>
      %add3A_192 = arith.addf %scan3A_177, %get3A_191 : vector<16xf32>
      %get3A_193 = arith.index_cast %add3A_188 : i32 to index
      %get3A_194 = arith.constant 16 : index
      %get3A_195 = tpu.vector_load %arg6[%get3A_193, %get3A_194] {strides = array<i32>} : memref<120x128xf32, #tpu.memory_space<vmem>>, vector<1x16xf32>,
      %get3A_196 = vector.shape_cast %get3A_195 : vector<1x16xf32> to vector<16xf32>
      %add3A_197 = arith.addf %scan3A_178, %get3A_196 : vector<16xf32>
      %get3A_198 = arith.index_cast %add3A_188 : i32 to index
      %get3A_199 = arith.constant 32 : index
      %get3A_200 = tpu.vector_load %arg6[%get3A_198, %get3A_199] {strides = array<i32>} : memref<120x128xf32, #tpu.memory_space<vmem>>, vector<1x16xf32>,
      %get3A_201 = vector.shape_cast %get3A_200 : vector<1x16xf32> to vector<16xf32>
      %add3A_202 = arith.addf %scan3A_179, %get3A_201 : vector<16xf32>
      %get3A_203 = arith.index_cast %add3A_188 : i32 to index
      %get3A_204 = arith.constant 48 : index
      %get3A_205 = tpu.vector_load %arg6[%get3A_203, %get3A_204] {strides = array<i32>} : memref<120x128xf32, #tpu.memory_space<vmem>>, vector<1x16xf32>,
      %get3A_206 = vector.shape_cast %get3A_205 : vector<1x16xf32> to vector<16xf32>
      %add3A_207 = arith.addf %scan3A_180, %get3A_206 : vector<16xf32>
      %get3A_208 = arith.index_cast %add3A_188 : i32 to index
      %get3A_209 = arith.constant 64 : index
      %get3A_210 = tpu.vector_load %arg6[%get3A_208, %get3A_209] {strides = array<i32>} : memref<120x128xf32, #tpu.memory_space<vmem>>, vector<1x16xf32>,
      %get3A_211 = vector.shape_cast %get3A_210 : vector<1x16xf32> to vector<16xf32>
      %add3A_212 = arith.addf %scan3A_181, %get3A_211 : vector<16xf32>
      %get3A_213 = arith.index_cast %add3A_188 : i32 to index
      %get3A_214 = arith.constant 80 : index
      %get3A_215 = tpu.vector_load %arg6[%get3A_213, %get3A_214] {strides = array<i32>} : memref<120x128xf32, #tpu.memory_space<vmem>>, vector<1x16xf32>,
      %get3A_216 = vector.shape_cast %get3A_215 : vector<1x16xf32> to vector<16xf32>
      %add3A_217 = arith.addf %scan3A_182, %get3A_216 : vector<16xf32>
      %get3A_218 = arith.index_cast %add3A_188 : i32 to index
      %get3A_219 = arith.constant 96 : index
      %get3A_220 = tpu.vector_load %arg6[%get3A_218, %get3A_219] {strides = array<i32>} : memref<120x128xf32, #tpu.memory_space<vmem>>, vector<1x16xf32>,
      %get3A_221 = vector.shape_cast %get3A_220 : vector<1x16xf32> to vector<16xf32>
      %add3A_222 = arith.addf %scan3A_183, %get3A_221 : vector<16xf32>
      %get3A_223 = arith.index_cast %add3A_188 : i32 to index
      %get3A_224 = arith.constant 112 : index
      %get3A_225 = tpu.vector_load %arg6[%get3A_223, %get3A_224] {strides = array<i32>} : memref<120x128xf32, #tpu.memory_space<vmem>>, vector<1x16xf32>,
      %get3A_226 = vector.shape_cast %get3A_225 : vector<1x16xf32> to vector<16xf32>
      %add3A_227 = arith.addf %scan3A_184, %get3A_226 : vector<16xf32>
      %mul3A_228 = arith.constant 4 : i32
      %mul3A_229 = arith.muli %scan3A_176, %mul3A_228 : i32
      %add3A_230 = arith.constant 1 : i32
      %add3A_231 = arith.addi %mul3A_229, %add3A_230 : i32
      %get3A_232 = arith.index_cast %add3A_231 : i32 to index
      %get3A_233 = arith.constant 0 : index
      %get3A_234 = tpu.vector_load %arg6[%get3A_232, %get3A_233] {strides = array<i32>} : memref<120x128xf32, #tpu.memory_space<vmem>>, vector<1x16xf32>,
      %get3A_235 = vector.shape_cast %get3A_234 : vector<1x16xf32> to vector<16xf32>
      %add3A_236 = arith.addf %add3A_192, %get3A_235 : vector<16xf32>
      %get3A_237 = arith.index_cast %add3A_231 : i32 to index
      %get3A_238 = arith.constant 16 : index
      %get3A_239 = tpu.vector_load %arg6[%get3A_237, %get3A_238] {strides = array<i32>} : memref<120x128xf32, #tpu.memory_space<vmem>>, vector<1x16xf32>,
      %get3A_240 = vector.shape_cast %get3A_239 : vector<1x16xf32> to vector<16xf32>
      %add3A_241 = arith.addf %add3A_197, %get3A_240 : vector<16xf32>
      %get3A_242 = arith.index_cast %add3A_231 : i32 to index
      %get3A_243 = arith.constant 32 : index
      %get3A_244 = tpu.vector_load %arg6[%get3A_242, %get3A_243] {strides = array<i32>} : memref<120x128xf32, #tpu.memory_space<vmem>>, vector<1x16xf32>,
      %get3A_245 = vector.shape_cast %get3A_244 : vector<1x16xf32> to vector<16xf32>
      %add3A_246 = arith.addf %add3A_202, %get3A_245 : vector<16xf32>
      %get3A_247 = arith.index_cast %add3A_231 : i32 to index
      %get3A_248 = arith.constant 48 : index
      %get3A_249 = tpu.vector_load %arg6[%get3A_247, %get3A_248] {strides = array<i32>} : memref<120x128xf32, #tpu.memory_space<vmem>>, vector<1x16xf32>,
      %get3A_250 = vector.shape_cast %get3A_249 : vector<1x16xf32> to vector<16xf32>
      %add3A_251 = arith.addf %add3A_207, %get3A_250 : vector<16xf32>
      %get3A_252 = arith.index_cast %add3A_231 : i32 to index
      %get3A_253 = arith.constant 64 : index
      %get3A_254 = tpu.vector_load %arg6[%get3A_252, %get3A_253] {strides = array<i32>} : memref<120x128xf32, #tpu.memory_space<vmem>>, vector<1x16xf32>,
      %get3A_255 = vector.shape_cast %get3A_254 : vector<1x16xf32> to vector<16xf32>
      %add3A_256 = arith.addf %add3A_212, %get3A_255 : vector<16xf32>
      %get3A_257 = arith.index_cast %add3A_231 : i32 to index
      %get3A_258 = arith.constant 80 : index
      %get3A_259 = tpu.vector_load %arg6[%get3A_257, %get3A_258] {strides = array<i32>} : memref<120x128xf32, #tpu.memory_space<vmem>>, vector<1x16xf32>,
      %get3A_260 = vector.shape_cast %get3A_259 : vector<1x16xf32> to vector<16xf32>
      %add3A_261 = arith.addf %add3A_217, %get3A_260 : vector<16xf32>
      %get3A_262 = arith.index_cast %add3A_231 : i32 to index
      %get3A_263 = arith.constant 96 : index
      %get3A_264 = tpu.vector_load %arg6[%get3A_262, %get3A_263] {strides = array<i32>} : memref<120x128xf32, #tpu.memory_space<vmem>>, vector<1x16xf32>,
      %get3A_265 = vector.shape_cast %get3A_264 : vector<1x16xf32> to vector<16xf32>
      %add3A_266 = arith.addf %add3A_222, %get3A_265 : vector<16xf32>
      %get3A_267 = arith.index_cast %add3A_231 : i32 to index
      %get3A_268 = arith.constant 112 : index
      %get3A_269 = tpu.vector_load %arg6[%get3A_267, %get3A_268] {strides = array<i32>} : memref<120x128xf32, #tpu.memory_space<vmem>>, vector<1x16xf32>,
      %get3A_270 = vector.shape_cast %get3A_269 : vector<1x16xf32> to vector<16xf32>
      %add3A_271 = arith.addf %add3A_227, %get3A_270 : vector<16xf32>
      %mul3A_272 = arith.constant 4 : i32
      %mul3A_273 = arith.muli %scan3A_176, %mul3A_272 : i32
      %add3A_274 = arith.constant 2 : i32
      %add3A_275 = arith.addi %mul3A_273, %add3A_274 : i32
      %get3A_276 = arith.index_cast %add3A_275 : i32 to index
      %get3A_277 = arith.constant 0 : index
      %get3A_278 = tpu.vector_load %arg6[%get3A_276, %get3A_277] {strides = array<i32>} : memref<120x128xf32, #tpu.memory_space<vmem>>, vector<1x16xf32>,
      %get3A_279 = vector.shape_cast %get3A_278 : vector<1x16xf32> to vector<16xf32>
      %add3A_280 = arith.addf %add3A_236, %get3A_279 : vector<16xf32>
      %get3A_281 = arith.index_cast %add3A_275 : i32 to index
      %get3A_282 = arith.constant 16 : index
      %get3A_283 = tpu.vector_load %arg6[%get3A_281, %get3A_282] {strides = array<i32>} : memref<120x128xf32, #tpu.memory_space<vmem>>, vector<1x16xf32>,
      %get3A_284 = vector.shape_cast %get3A_283 : vector<1x16xf32> to vector<16xf32>
      %add3A_285 = arith.addf %add3A_241, %get3A_284 : vector<16xf32>
      %get3A_286 = arith.index_cast %add3A_275 : i32 to index
      %get3A_287 = arith.constant 32 : index
      %get3A_288 = tpu.vector_load %arg6[%get3A_286, %get3A_287] {strides = array<i32>} : memref<120x128xf32, #tpu.memory_space<vmem>>, vector<1x16xf32>,
      %get3A_289 = vector.shape_cast %get3A_288 : vector<1x16xf32> to vector<16xf32>
      %add3A_290 = arith.addf %add3A_246, %get3A_289 : vector<16xf32>
      %get3A_291 = arith.index_cast %add3A_275 : i32 to index
      %get3A_292 = arith.constant 48 : index
      %get3A_293 = tpu.vector_load %arg6[%get3A_291, %get3A_292] {strides = array<i32>} : memref<120x128xf32, #tpu.memory_space<vmem>>, vector<1x16xf32>,
      %get3A_294 = vector.shape_cast %get3A_293 : vector<1x16xf32> to vector<16xf32>
      %add3A_295 = arith.addf %add3A_251, %get3A_294 : vector<16xf32>
      %get3A_296 = arith.index_cast %add3A_275 : i32 to index
      %get3A_297 = arith.constant 64 : index
      %get3A_298 = tpu.vector_load %arg6[%get3A_296, %get3A_297] {strides = array<i32>} : memref<120x128xf32, #tpu.memory_space<vmem>>, vector<1x16xf32>,
      %get3A_299 = vector.shape_cast %get3A_298 : vector<1x16xf32> to vector<16xf32>
      %add3A_300 = arith.addf %add3A_256, %get3A_299 : vector<16xf32>
      %get3A_301 = arith.index_cast %add3A_275 : i32 to index
      %get3A_302 = arith.constant 80 : index
      %get3A_303 = tpu.vector_load %arg6[%get3A_301, %get3A_302] {strides = array<i32>} : memref<120x128xf32, #tpu.memory_space<vmem>>, vector<1x16xf32>,
      %get3A_304 = vector.shape_cast %get3A_303 : vector<1x16xf32> to vector<16xf32>
      %add3A_305 = arith.addf %add3A_261, %get3A_304 : vector<16xf32>
      %get3A_306 = arith.index_cast %add3A_275 : i32 to index
      %get3A_307 = arith.constant 96 : index
      %get3A_308 = tpu.vector_load %arg6[%get3A_306, %get3A_307] {strides = array<i32>} : memref<120x128xf32, #tpu.memory_space<vmem>>, vector<1x16xf32>,
      %get3A_309 = vector.shape_cast %get3A_308 : vector<1x16xf32> to vector<16xf32>
      %add3A_310 = arith.addf %add3A_266, %get3A_309 : vector<16xf32>
      %get3A_311 = arith.index_cast %add3A_275 : i32 to index
      %get3A_312 = arith.constant 112 : index
      %get3A_313 = tpu.vector_load %arg6[%get3A_311, %get3A_312] {strides = array<i32>} : memref<120x128xf32, #tpu.memory_space<vmem>>, vector<1x16xf32>,
      %get3A_314 = vector.shape_cast %get3A_313 : vector<1x16xf32> to vector<16xf32>
      %add3A_315 = arith.addf %add3A_271, %get3A_314 : vector<16xf32>
      %mul3A_316 = arith.constant 4 : i32
      %mul3A_317 = arith.muli %scan3A_176, %mul3A_316 : i32
      %add3A_318 = arith.constant 3 : i32
      %add3A_319 = arith.addi %mul3A_317, %add3A_318 : i32
      %get3A_320 = arith.index_cast %add3A_319 : i32 to index
      %get3A_321 = arith.constant 0 : index
      %get3A_322 = tpu.vector_load %arg6[%get3A_320, %get3A_321] {strides = array<i32>} : memref<120x128xf32, #tpu.memory_space<vmem>>, vector<1x16xf32>,
      %get3A_323 = vector.shape_cast %get3A_322 : vector<1x16xf32> to vector<16xf32>
      %add3A_324 = arith.addf %add3A_280, %get3A_323 : vector<16xf32>
      %get3A_325 = arith.index_cast %add3A_319 : i32 to index
      %get3A_326 = arith.constant 16 : index
      %get3A_327 = tpu.vector_load %arg6[%get3A_325, %get3A_326] {strides = array<i32>} : memref<120x128xf32, #tpu.memory_space<vmem>>, vector<1x16xf32>,
      %get3A_328 = vector.shape_cast %get3A_327 : vector<1x16xf32> to vector<16xf32>
      %add3A_329 = arith.addf %add3A_285, %get3A_328 : vector<16xf32>
      %get3A_330 = arith.index_cast %add3A_319 : i32 to index
      %get3A_331 = arith.constant 32 : index
      %get3A_332 = tpu.vector_load %arg6[%get3A_330, %get3A_331] {strides = array<i32>} : memref<120x128xf32, #tpu.memory_space<vmem>>, vector<1x16xf32>,
      %get3A_333 = vector.shape_cast %get3A_332 : vector<1x16xf32> to vector<16xf32>
      %add3A_334 = arith.addf %add3A_290, %get3A_333 : vector<16xf32>
      %get3A_335 = arith.index_cast %add3A_319 : i32 to index
      %get3A_336 = arith.constant 48 : index
      %get3A_337 = tpu.vector_load %arg6[%get3A_335, %get3A_336] {strides = array<i32>} : memref<120x128xf32, #tpu.memory_space<vmem>>, vector<1x16xf32>,
      %get3A_338 = vector.shape_cast %get3A_337 : vector<1x16xf32> to vector<16xf32>
      %add3A_339 = arith.addf %add3A_295, %get3A_338 : vector<16xf32>
      %get3A_340 = arith.index_cast %add3A_319 : i32 to index
      %get3A_341 = arith.constant 64 : index
      %get3A_342 = tpu.vector_load %arg6[%get3A_340, %get3A_341] {strides = array<i32>} : memref<120x128xf32, #tpu.memory_space<vmem>>, vector<1x16xf32>,
      %get3A_343 = vector.shape_cast %get3A_342 : vector<1x16xf32> to vector<16xf32>
      %add3A_344 = arith.addf %add3A_300, %get3A_343 : vector<16xf32>
      %get3A_345 = arith.index_cast %add3A_319 : i32 to index
      %get3A_346 = arith.constant 80 : index
      %get3A_347 = tpu.vector_load %arg6[%get3A_345, %get3A_346] {strides = array<i32>} : memref<120x128xf32, #tpu.memory_space<vmem>>, vector<1x16xf32>,
      %get3A_348 = vector.shape_cast %get3A_347 : vector<1x16xf32> to vector<16xf32>
      %add3A_349 = arith.addf %add3A_305, %get3A_348 : vector<16xf32>
      %get3A_350 = arith.index_cast %add3A_319 : i32 to index
      %get3A_351 = arith.constant 96 : index
      %get3A_352 = tpu.vector_load %arg6[%get3A_350, %get3A_351] {strides = array<i32>} : memref<120x128xf32, #tpu.memory_space<vmem>>, vector<1x16xf32>,
      %get3A_353 = vector.shape_cast %get3A_352 : vector<1x16xf32> to vector<16xf32>
      %add3A_354 = arith.addf %add3A_310, %get3A_353 : vector<16xf32>
      %get3A_355 = arith.index_cast %add3A_319 : i32 to index
      %get3A_356 = arith.constant 112 : index
      %get3A_357 = tpu.vector_load %arg6[%get3A_355, %get3A_356] {strides = array<i32>} : memref<120x128xf32, #tpu.memory_space<vmem>>, vector<1x16xf32>,
      %get3A_358 = vector.shape_cast %get3A_357 : vector<1x16xf32> to vector<16xf32>
      %add3A_359 = arith.addf %add3A_315, %get3A_358 : vector<16xf32>
      scf.yield %add3A_324, %add3A_329, %add3A_334, %add3A_339, %add3A_344, %add3A_349, %add3A_354, %add3A_359 : vector<16xf32>, vector<16xf32>, vector<16xf32>, vector<16xf32>, vector<16xf32>, vector<16xf32>, vector<16xf32>, vector<16xf32>
    }
    %scan3A_144 = arith.constant 30 : i32
    %swap3A = arith.constant 0 : index
    %swap3A_145 = tpu.vector_load %arg8[%swap3A] {strides = array<i32>} : memref<128xf32, #tpu.memory_space<vmem>>, vector<16xf32>,
    %swap3A_146 = vector.shape_cast %swap3A_145 : vector<16xf32> to vector<16xf32>
    %swap3A_147 = vector.shape_cast %scan3A_143#0 : vector<16xf32> to vector<16xf32>
    tpu.vector_store %arg8[%swap3A], %swap3A_147 {strides = array<i32>} : memref<128xf32, #tpu.memory_space<vmem>>, vector<16xf32>,
    %swap3A_148 = arith.constant 16 : index
    %swap3A_149 = tpu.vector_load %arg8[%swap3A_148] {strides = array<i32>} : memref<128xf32, #tpu.memory_space<vmem>>, vector<16xf32>,
    %swap3A_150 = vector.shape_cast %swap3A_149 : vector<16xf32> to vector<16xf32>
    %swap3A_151 = vector.shape_cast %scan3A_143#1 : vector<16xf32> to vector<16xf32>
    tpu.vector_store %arg8[%swap3A_148], %swap3A_151 {strides = array<i32>} : memref<128xf32, #tpu.memory_space<vmem>>, vector<16xf32>,
    %swap3A_152 = arith.constant 32 : index
    %swap3A_153 = tpu.vector_load %arg8[%swap3A_152] {strides = array<i32>} : memref<128xf32, #tpu.memory_space<vmem>>, vector<16xf32>,
    %swap3A_154 = vector.shape_cast %swap3A_153 : vector<16xf32> to vector<16xf32>
    %swap3A_155 = vector.shape_cast %scan3A_143#2 : vector<16xf32> to vector<16xf32>
    tpu.vector_store %arg8[%swap3A_152], %swap3A_155 {strides = array<i32>} : memref<128xf32, #tpu.memory_space<vmem>>, vector<16xf32>,
    %swap3A_156 = arith.constant 48 : index
    %swap3A_157 = tpu.vector_load %arg8[%swap3A_156] {strides = array<i32>} : memref<128xf32, #tpu.memory_space<vmem>>, vector<16xf32>,
    %swap3A_158 = vector.shape_cast %swap3A_157 : vector<16xf32> to vector<16xf32>
    %swap3A_159 = vector.shape_cast %scan3A_143#3 : vector<16xf32> to vector<16xf32>
    tpu.vector_store %arg8[%swap3A_156], %swap3A_159 {strides = array<i32>} : memref<128xf32, #tpu.memory_space<vmem>>, vector<16xf32>,
    %swap3A_160 = arith.constant 64 : index
    %swap3A_161 = tpu.vector_load %arg8[%swap3A_160] {strides = array<i32>} : memref<128xf32, #tpu.memory_space<vmem>>, vector<16xf32>,
    %swap3A_162 = vector.shape_cast %swap3A_161 : vector<16xf32> to vector<16xf32>
    %swap3A_163 = vector.shape_cast %scan3A_143#4 : vector<16xf32> to vector<16xf32>
    tpu.vector_store %arg8[%swap3A_160], %swap3A_163 {strides = array<i32>} : memref<128xf32, #tpu.memory_space<vmem>>, vector<16xf32>,
    %swap3A_164 = arith.constant 80 : index
    %swap3A_165 = tpu.vector_load %arg8[%swap3A_164] {strides = array<i32>} : memref<128xf32, #tpu.memory_space<vmem>>, vector<16xf32>,
    %swap3A_166 = vector.shape_cast %swap3A_165 : vector<16xf32> to vector<16xf32>
    %swap3A_167 = vector.shape_cast %scan3A_143#5 : vector<16xf32> to vector<16xf32>
    tpu.vector_store %arg8[%swap3A_164], %swap3A_167 {strides = array<i32>} : memref<128xf32, #tpu.memory_space<vmem>>, vector<16xf32>,
    %swap3A_168 = arith.constant 96 : index
    %swap3A_169 = tpu.vector_load %arg8[%swap3A_168] {strides = array<i32>} : memref<128xf32, #tpu.memory_space<vmem>>, vector<16xf32>,
    %swap3A_170 = vector.shape_cast %swap3A_169 : vector<16xf32> to vector<16xf32>
    %swap3A_171 = vector.shape_cast %scan3A_143#6 : vector<16xf32> to vector<16xf32>
    tpu.vector_store %arg8[%swap3A_168], %swap3A_171 {strides = array<i32>} : memref<128xf32, #tpu.memory_space<vmem>>, vector<16xf32>,
    %swap3A_172 = arith.constant 112 : index
    %swap3A_173 = tpu.vector_load %arg8[%swap3A_172] {strides = array<i32>} : memref<128xf32, #tpu.memory_space<vmem>>, vector<16xf32>,
    %swap3A_174 = vector.shape_cast %swap3A_173 : vector<16xf32> to vector<16xf32>
    %swap3A_175 = vector.shape_cast %scan3A_143#7 : vector<16xf32> to vector<16xf32>
    tpu.vector_store %arg8[%swap3A_172], %swap3A_175 {strides = array<i32>} : memref<128xf32, #tpu.memory_space<vmem>>, vector<16xf32>,
    "tpu.region"() ({
      %run_scoped3A = tpu.sem_alloc : memref<!tpu.dma_semaphore, #tpu.memory_space<semaphore_mem>>
      %dma_start3A_176 = arith.constant 0 : i32
      %dma_start3A_177 = tpu.memref_slice %arg4[%add3A, %dma_start3A_176] : memref<32x128xf32, #tpu.memory_space<hbm>> -> memref<1x128xf32, #tpu.memory_space<hbm>>
      %dma_start3A_178 = tpu.memref_squeeze %dma_start3A_177 : memref<1x128xf32, #tpu.memory_space<hbm>> -> memref<128xf32, #tpu.memory_space<hbm>>
      %dma_start3A_179 = arith.constant 0 : i32
      %dma_start3A_180 = tpu.memref_slice %arg4[%add3A, %dma_start3A_179] : memref<32x128xf32, #tpu.memory_space<hbm>> -> memref<1x128xf32, #tpu.memory_space<hbm>>
      %dma_start3A_181 = tpu.memref_squeeze %dma_start3A_180 : memref<1x128xf32, #tpu.memory_space<hbm>> -> memref<128xf32, #tpu.memory_space<hbm>>
      tpu.enqueue_dma source(%arg8 : memref<128xf32, #tpu.memory_space<vmem>>) target(%dma_start3A_181 : memref<128xf32, #tpu.memory_space<hbm>>) target_semaphore(%run_scoped3A : memref<!tpu.dma_semaphore, #tpu.memory_space<semaphore_mem>>)
      %dma_wait3A_182 = arith.constant 0 : i32
      %dma_wait3A_183 = tpu.memref_slice %arg4[%add3A, %dma_wait3A_182] : memref<32x128xf32, #tpu.memory_space<hbm>> -> memref<1x128xf32, #tpu.memory_space<hbm>>
      %dma_wait3A_184 = tpu.memref_squeeze %dma_wait3A_183 : memref<1x128xf32, #tpu.memory_space<hbm>> -> memref<128xf32, #tpu.memory_space<hbm>>
      %dma_wait3A_185 = arith.constant 0 : i32
      %dma_wait3A_186 = tpu.memref_slice %arg4[%add3A, %dma_wait3A_185] : memref<32x128xf32, #tpu.memory_space<hbm>> -> memref<1x128xf32, #tpu.memory_space<hbm>>
      %dma_wait3A_187 = tpu.memref_squeeze %dma_wait3A_186 : memref<1x128xf32, #tpu.memory_space<hbm>> -> memref<128xf32, #tpu.memory_space<hbm>>
      tpu.wait_dma2 semaphore(%run_scoped3A : memref<!tpu.dma_semaphore, #tpu.memory_space<semaphore_mem>>) src(%arg8 : memref<128xf32, #tpu.memory_space<vmem>>) dst(%dma_wait3A_187 : memref<128xf32, #tpu.memory_space<hbm>>)
      tpu.yield
    }) : () -> ()
    return
  }
}

module attributes {stable_mosaic.version = 14 : i64} {
  func.func @body(%arg0: memref<32x128xf32, #tpu.memory_space<vmem>>, %arg1: memref<128x128xf32, #tpu.memory_space<vmem>>, %arg2: memref<1x128xf32, #tpu.memory_space<vmem>>, %arg3: memref<1x128xf32, #tpu.memory_space<vmem>>) attributes {dimension_semantics = [], scalar_prefetch = 0 : i64, scratch_operands = 0 : i64, tpu.core_type = #tpu.core_type<tc>} {
    %get3A = arith.constant 0 : index
    %get3A_0 = arith.constant 0 : index
    %get3A_1 = vector.load %arg0[%get3A, %get3A_0] : memref<32x128xf32, #tpu.memory_space<vmem>>, vector<32x128xf32>
    %get3A_2 = arith.constant 0 : index
    %get3A_3 = arith.constant 0 : index
    %get3A_4 = vector.load %arg1[%get3A_2, %get3A_3] : memref<128x128xf32, #tpu.memory_space<vmem>>, vector<128x128xf32>
    %dot_general3A = arith.constant dense<0.000000e+00> : vector<32x128xf32>
    %dot_general3A_5 = tpu.matmul %get3A_1, %get3A_4, %dot_general3A {dimension_numbers = #tpu.dot_dimension_numbers<[1], [0], [0], [1], [0, 0, 1, 1], [], []>, transpose_lhs_hint = false} : vector<32x128xf32>, vector<128x128xf32>, vector<32x128xf32> -> vector<32x128xf32>
    %reduce_sum3A = arith.constant dense<0.000000e+00> : vector<128xf32>
    %reduce_sum3A_6 = vector.multi_reduction <add>, %dot_general3A_5, %reduce_sum3A [0] : vector<32x128xf32> to vector<128xf32>
    %broadcast_in_dim3A = vector.shape_cast %reduce_sum3A_6 : vector<128xf32> to vector<1x128xf32>
    %get3A_7 = arith.constant 0 : index
    %get3A_8 = arith.constant 0 : index
    %get3A_9 = vector.load %arg2[%get3A_7, %get3A_8] : memref<1x128xf32, #tpu.memory_space<vmem>>, vector<1x128xf32>
    %mul3A = arith.constant 5.000000e+04 : f32
    %mul3A_10 = vector.broadcast %mul3A : f32 to vector<1x128xf32>
    %mul3A_11 = arith.mulf %mul3A_10, %get3A_9 : vector<1x128xf32>
    %add3A = arith.addf %broadcast_in_dim3A, %mul3A_11 : vector<1x128xf32>
    %swap3A = arith.constant 0 : index
    %swap3A_12 = arith.constant 0 : index
    %swap3A_13 = vector.load %arg3[%swap3A, %swap3A_12] : memref<1x128xf32, #tpu.memory_space<vmem>>, vector<1x128xf32>
    tpu.vector_store %arg3[%swap3A, %swap3A_12], %add3A {strides = array<i32>} : memref<1x128xf32, #tpu.memory_space<vmem>>, vector<1x128xf32>,
    return
  }
}

</mosaic_0001>

<sc_bundles>
// kernel: kernel.4.cloned.1.call-start
scs
__scs_entry_jumppad:
0x0: {  	(pc) =	sbr.rel $0x88, $3  }
0x1: {  	(tag) =	ssettag $0x0;
	lr =	simm.s32 $0x1  }
0x2: {  	[smem:$0x3F9D] =	sst lr;
	_ =	strace $0xD0000000  }
0x3: {  	_ = 	snop  }
0x4: {  	_ = 	snop  }
0x5: {  	_ = 	snop  }
0x6: {  	_ = 	snop  }
0x7: {  	_ = 	snop  }
__scs_overlays_trampoline_lowered:
0x8: {  	[smem:$0x3FAC] =	sst s0  }
0x9: {  	[smem:$0x3FAD] =	sst s1  }
0xa: {  	[smem:$0x3FAE] =	sst s2  }
0xb: {  	[smem:$0x3FAF] =	sst s3  }
0xc: {  	[smem:$0x3FB0] =	sst s4  }
0xd: {  	[smem:$0x3FB1] =	sst s5  }
0xe: {  	[smem:$0x3FB2] =	sst s6  }
0xf: {  	[smem:$0x3FB3] =	sst s7  }
0x10: {  	[smem:$0x3FB4] =	sst s8  }
0x11: {  	[smem:$0x3FB5] =	sst s9;
	s0 =	simm.s32 @!p0 $0x0  }
0x12: {  	s1 =	sld [smem:$0x3F9B];
	s0 =	simm.s32 @p0 $0x1  }
0x13: {  	[smem:$0x3FB6] =	sst s0;
	s0 =	simm.s32 @!p1 $0x0  }
0x14: {  	s2 =	sld [smem:$0x3F9A];
	s0 =	simm.s32 @p1 $0x1  }
0x15: {  	[smem:$0x3FB7] =	sst s0;
	s0 =	simm.s32 @!p2 $0x0  }
0x16: {  	s3 =	sld [smem:$0x3FDB];
	s0 =	simm.s32 @p2 $0x1  }
0x17: {  	s4 =	simm.s32 $0x1BF5;
	[smem:$0x3FB9] =	sst s0  }
0x18: {  	s0 =	sld [smem:$0x3F9C];
	_ =	swait.ge [sflag:s4], $0x0  }
0x19: {  	s7 =	sld [smem:$0x3F9D]  }
0x1a: {  	s8 =	sadd.s32 $0xFFFFE003, lr  }
0x1b: {  	s9 =	sadd.s32 $0xFFFFFEF7, lr;
	s5 =	simm.s32 $0xFFFFFFFF;
	p2 =	slt.u32 s8, $0xFFFFF086  }
0x1c: {  	p1 =	slt.u32 s9, $0xF7A;
	s5 =	simm.s32 @!p2 $0x0  }
0x1d: {  	s5 =	simm.s32 @p1 $0x1;
	p0 =	seq.s32 s7, s2  }
0x1e: {  	s7 =	smul.u32 @!p0 $0xF7A, s2;
	p2 =	seq.s32 @!p0 s5, $0x0  }
0x1f: {  	s9 =	smul.u32 $0xF7A, s1;
	s8 =	simm.s32 @!p0 $0x1BF5;
	p2 =	por !p2, p0  }
0x20: {  	[sflag:s8] =	ssyncset.s32 @!p0 $0xFFFFF086;
	s6 =	sadd.s32 @!p0 s3, s7;
	s7 =	simm.s32 @!p0 $0x108  }
0x21: {  	s3 =	sadd.s32 s3, s9;
	s6 =	sadd.s32 @!p0 $0x88, s6;
	s7 =	simm.s32 @p2 $0x1082  }
0x22: {  	[simem:s7], [sflag:s8] =	dma.local @!p0 [hbm:s6], $0xF7A  }
0x23: {  	s9 =	sor.u32 $0xD0000000, s2;
	s6 =	simm.s32 $0x108;
	_ =	swait.ge @!p0 [sflag:s8], $0x0  }
0x24: {  	s3 =	sadd.s32 $0x88, s3;
	s6 =	simm.s32 @!p1 $0x1082;
	[sflag:s4] =	ssyncset.s32 $0xFFFFF086  }
0x25: {  	[simem:s6], [sflag:s4] =	dma.local [hbm:s3], $0xF7A  }
0x26: {  	[smem:$0x3F9D] =	sst s1;
	(tag) =	ssettag s2;
	_ =	strace s9  }
0x27: {  	s1 =	sld [smem:$0x3FAD]  }
0x28: {  	s2 =	sld [smem:$0x3FAE]  }
0x29: {  	s4 =	sld [smem:$0x3FB0]  }
0x2a: {  	p0 =	seq.s32 s5, $0x0;
	s5 =	sld [smem:$0x3FB1]  }
0x2b: {  	s6 =	sld [smem:$0x3FB2]  }
0x2c: {  	s7 =	sld [smem:$0x3FB3]  }
0x2d: {  	s3 =	simm.s32 $0x108;
	s8 =	sld [smem:$0x3FB4]  }
0x2e: {  	s3 =	simm.s32 @!p0 $0x1082;
	s9 =	sld [smem:$0x3FB5]  }
0x2f: {  	lr =	sadd.s32 s0, s3;
	s0 =	sld [smem:$0x3FAC]  }
0x30: {  	s3 =	sld [smem:$0x3FAF]  }
0x31: {  	[smem:$0x3FB8] =	sst s10  }
0x32: {  	s10 =	sld [smem:$0x3FB6];
	_ =	sdelay $0x3  }
0x33: {  	p0 =	seq.s32 s10, $0x1;
	s10 =	sld [smem:$0x3FB8];
	_ =	sdelay $0x3  }
0x34: {  	[smem:$0x3FB8] =	sst s10  }
0x35: {  	s10 =	sld [smem:$0x3FB7];
	_ =	sdelay $0x3  }
0x36: {  	p1 =	seq.s32 s10, $0x1;
	s10 =	sld [smem:$0x3FB8];
	_ =	sdelay $0x3  }
0x37: {  	[smem:$0x3FB8] =	sst s10  }
0x38: {  	s10 =	sld [smem:$0x3FB9]  }
0x39: {  	_ = 	snop;
	(pc) =	sbr.ind lr, $3  }
0x3a: {  	_ = 	snop  }
0x3b: {  	_ = 	snop  }
0x3c: {  	p2 =	seq.s32 s10, $0x1;
	s10 =	sld [smem:$0x3FB8]  }
0x3d: {  	_ =	shalt  }
0x3e: {  	_ =	shalt  }
0x3f: {  	_ =	shalt  }
0x40: {  	_ =	shalt  }
0x41: {  	_ =	shalt  }
0x42: {  	_ =	shalt  }
0x43: {  	_ =	shalt  }
0x44: {  	_ =	shalt  }
0x45: {  	_ =	shalt  }
0x46: {  	_ =	shalt  }
0x47: {  	_ =	shalt  }
0x48: {  	_ =	shalt  }
0x49: {  	_ =	shalt  }
0x4a: {  	_ =	shalt  }
0x4b: {  	_ =	shalt  }
0x4c: {  	_ =	shalt  }
0x4d: {  	_ =	shalt  }
0x4e: {  	_ =	shalt  }
0x4f: {  	_ =	shalt  }
0x50: {  	_ =	shalt  }
0x51: {  	_ =	shalt  }
0x52: {  	_ =	shalt  }
0x53: {  	_ =	shalt  }
0x54: {  	_ =	shalt  }
0x55: {  	_ =	shalt  }
0x56: {  	_ =	shalt  }
0x57: {  	_ =	shalt  }
0x58: {  	_ =	shalt  }
0x59: {  	_ =	shalt  }
0x5a: {  	_ =	shalt  }
0x5b: {  	_ =	shalt  }
0x5c: {  	_ =	shalt  }
0x5d: {  	_ =	shalt  }
0x5e: {  	_ =	shalt  }
0x5f: {  	_ =	shalt  }
0x60: {  	_ =	shalt  }
0x61: {  	_ =	shalt  }
0x62: {  	_ =	shalt  }
0x63: {  	_ =	shalt  }
0x64: {  	_ =	shalt  }
0x65: {  	_ =	shalt  }
0x66: {  	_ =	shalt  }
0x67: {  	_ =	shalt  }
0x68: {  	_ =	shalt  }
0x69: {  	_ =	shalt  }
0x6a: {  	_ =	shalt  }
0x6b: {  	_ =	shalt  }
0x6c: {  	_ =	shalt  }
0x6d: {  	_ =	shalt  }
0x6e: {  	_ =	shalt  }
0x6f: {  	_ =	shalt  }
0x70: {  	_ =	shalt  }
0x71: {  	_ =	shalt  }
0x72: {  	_ =	shalt  }
0x73: {  	_ =	shalt  }
0x74: {  	_ =	shalt  }
0x75: {  	_ =	shalt  }
0x76: {  	_ =	shalt  }
0x77: {  	_ =	shalt  }
0x78: {  	_ =	shalt  }
0x79: {  	_ =	shalt  }
0x7a: {  	_ =	shalt  }
0x7b: {  	_ =	shalt  }
0x7c: {  	_ =	shalt  }
0x7d: {  	_ =	shalt  }
0x7e: {  	_ =	shalt  }
0x7f: {  	_ =	shalt  }
0x80: {  	_ =	shalt  }
0x81: {  	_ =	shalt  }
0x82: {  	_ =	shalt  }
0x83: {  	_ =	shalt  }
0x84: {  	_ =	shalt  }
0x85: {  	_ =	shalt  }
0x86: {  	_ =	shalt  }
0x87: {  	_ =	shalt  }
.Lfunc_end0:
.L_simem_size_0:
called_computation_lowered:
.L_overlay_start_0:
0x88: {  	s2 =	sld [smem:$0x3FD9]  }
0x89: {  	s3 =	sld [smem:$0x3FFE];
	_ =	sdelay $0x1  }
0x8a: {  	s1 =	srdreg.scid  }
0x8b: {  	s0 =	sand.u32 $0x1, s1  }
0x8c: {  	s17 =	sshll.u32 s0, $0xA;
	s2 =	sadd.s32 s3, s2  }
0x8d: {  	s2 =	sadd.s32 s2, s17  }
0x8e: {  	[smem:$0x3FC4] =	sst s2  }
0x8f: {  	_ = 	snop  }
0x90: {  	s2 =	sld [smem:$0x3FC9]  }
0x91: {  	s18 =	sld [smem:$0x3FC8];
	(tm) =	ssettm $0x1  }
0x92: {  	s4 =	sld [smem:$0x3FFB];
	_ =	sdelay $0x3  }
0x93: {  	_ =	strace s4  }
0x94: {  	s4 =	sld [smem:$0x3FFC];
	_ =	sdelay $0x3  }
0x95: {  	_ =	strace s4  }
0x96: {  	s4 =	sld [smem:$0x3FFD];
	_ =	sdelay $0x3  }
0x97: {  	_ =	strace s4  }
0x98: {  	_ =	strace $0x8FFFFFFF  }
0x99: {  	s19 =	sld [smem:$0x3FDB];
	_ =	sdelay $0x1  }
0x9a: {  	s5 =	simm.s32 $_scs_section_size  }
0x9b: {  	s6 =	simm.s32 $_size__tile_overlayer_lowered;
	s7 =	simm.s32 $_tile_overlayer_lowered  }
0x9c: {  	s22 =	simm.s32 $0x1BFF;
	s21 =	sshll.u32 s7, $0x1;
	s4 =	sadd.s32 s5, s19  }
0x9d: {  	s8 =	simm.s32 $0x0;
	s20 =	sshll.u32 s6, $0x1;
	s6 =	sadd.s32 s21, s4  }
0x9e: {  	[timem:s8], [sflag:s22] =	dma.local [hbm:s6], s20  }
0x9f: {  	_ =	swait.ge [sflag:s22], s20  }
0xa0: {  	s5 =	ssub.s32 $0x0, s20;
	[sflag:s22] =	ssyncset.done $0x0  }
0xa1: {  	[sflag:s22] =	ssyncadd.s32 s5;
	_ =	sdelay $0x1  }
0xa2: {  	s23 =	simm.s32 $0x1B8B  }
0xa3: {  	_ =	swait.ge [sflag:s23], $0x1  }
0xa4: {  	[sflag:s23] =	ssyncset.done $0x0  }
0xa5: {  	s25 =	simm.s32 $0x1B8E;
	s24 =	sld [smem:$0x3FFE];
	[sflag:s23] =	ssyncadd.s32 $0xFFFFFFFF  }
0xa6: {  	s26 =	simm.s32 $execute0_lowered;
	[smem:$0x3FD2] =	sst s25  }
0xa7: {  	s6 =	sshll.u32 s26, $0x1;
	_ =	strace $0x80000046;
	[dreg:$0x1] =	wrdreg $0xFFFFFFFF  }
0xa8: {  	s28 =	simm.s32 $_size_execute0_lowered;
	s4 =	sadd.s32 s4, s6;
	[dreg:$0x0] =	wrdreg $0x0  }
0xa9: {  	s6 =	sshll.u32 s28, $0x1;
	[dreg:$0x2] =	wrdreg s4  }
0xaa: {  	[dreg:$0x3] =	wrdreg s6  }
0xab: {  	[dreg:$0x4] =	wrdreg $0xC0  }
0xac: {  	_ =	task [dreg:s8], $0x5FFFF  }
0xad: {  	[dreg:$0x1] =	wrdreg $0xFFFFFFFF  }
0xae: {  	[dreg:$0x0] =	wrdreg $0x60  }
0xaf: {  	[dreg:$0x2] =	wrdreg s18  }
0xb0: {  	[dreg:$0x3] =	wrdreg s2  }
0xb1: {  	[dreg:$0x4] =	wrdreg s24  }
0xb2: {  	[dreg:$0x5] =	wrdreg $0x9  }
0xb3: {  	_ =	task.clear_ibuf [dreg:s8], $0x6FFFF;
	_ =	strace $0x90000046  }
0xb4: {  	s29 =	simm.s32 $0x9;
	_ =	strace $0x80000048  }
0xb5: {  	_ =	swait.ge [sflag:s29], $0x1  }
0xb6: {  	[sflag:s29] =	ssyncadd.s32 $0xFFFFFFFF  }
0xb7: {  	_ =	strace $0x90000048  }
0xb8: {  	_ =	sfence  }
0xb9: {  	s30 =	sld [smem:$0x0];
	_ =	sdelay $0x2  }
0xba: {  	s31 =	sshll.u32 s1, $0xD;
	s1 =	sshrl.u32 s1, $0x2  }
0xbb: {  	s3 =	sand.u32 $0x4000, s31;
	s1 =	sadd.s32 s1, s30  }
0xbc: {  	s0 =	sor.u32 s3, s0;
	s1 =	sshll.u32 s1, $0x11  }
0xbd: {  	s0 =	sor.u32 s1, s0  }
0xbe: {  	s0 =	sadd.s32 $0x8F2B, s0  }
0xbf: {  	[sflag:s0] =	ssyncadd.remote.s32 $0x1  }
0xc0: {  	_ =	sfence.sel $0xFFFF  }
0xc1: {  	[dreg:$0x0] =	wrdreg $0xFFFFFFFF;
	(pc) =	sbr.abs _section_cstart, $3  }
0xc2: {  	[dreg:$0x1] =	wrdreg $0xFFFFFFFF  }
0xc3: {  	_ =	task.clear_ibuf [dreg:s8], $0x2FFFF;
	_ =	strace $0x9FFFFFFF  }
0xc4: {  	(tm) =	ssettm $0x7FFFFFFF  }
0xc5: {  	_ =	shalt  }
tec
execute0_lowered:
.L_overlay_start_1:
0x0: {  	(tag) =	ssettag $0x1  }
0x1: {  	s1 =	rddreg [dreg:$0x0]  }
0x2: {  	s4 =	rddreg [dreg:$0x1]  }
0x3: {  	s5 =	rddreg [dreg:$0x2]  }
0x4: {  	s0 =	rddreg [dreg:$0x3];
	s3 =	simm.s32 $0x0;
	s6 =	srdreg.scid  }
0x5: {  	s2 =	stileid.u32;
	s11 =	simm.s32 $0xF0;
	s12 =	simm.s32 $0x168  }
0x6: {  	s13 =	simm.s32 $0x1E0;
	s14 =	simm.s32 $0x258;
	s15 =	simm.s32 $0x2D0  }
0x7: {  	s16 =	simm.s32 $0x348;
	s17 =	simm.s32 $0x3C0;
	s18 =	simm.s32 $0x438  }
0x8: {  	s19 =	simm.s32 $0x4B0;
	s20 =	simm.s32 $0x528;
	s21 =	simm.s32 $0x5A0  }
0x9: {  	s22 =	simm.s32 $0x1;
	s23 =	simm.s32 $0x4300;
	s24 =	simm.s32 $0x3  }
0xa: {  	s25 =	simm.s32 $0x0;
	s6 =	sand.u32 $0x1, s6;
	s7 =	sshll.u32 s2, $0x1  }
0xb: {  	[smem:$0x7FF] =	sst s3;
	p0 =	sgt.u32 s2, $0x4;
	s7 =	sor.u32 s6, s7  }
0xc: {  	_ =	strace $0x80000047;
	s6 =	ssub.s32 $0x2, s6;
	s8 =	sshll.u32 s7, $0x4  }
0xd: {  	s9 =	smul.u32 $0xC3, s7;
	s31 =	sshrl.u32 s6, $0x1;
	s7 =	sadd.s32 s7, s4  }
0xe: {  	s8 =	sadd.s32 s8, s5;
	s10 =	ssub.s32 s6, s31;
	s5 =	sadd.s32 $0x1860, s7  }
0xf: {  	s4 =	sadd.s32 s4, s9;
	s6 =	sadd.s32 $0xA00, s8;
	s7 =	smax.u32 s10, $0x1  }
0x10: {  	v0 =	vimm.f32 $0.0e+00;
	s8 =	simm.s32 $0x2;
	s9 =	simm.s32 $0x78;
	s10 =	simm.s32 $0x680  }
.LBB2_1:
0x11: {  	[tilespmem:s3], [sflag:$0x2] =	stream.linear.gather [hbm4b:s4+s3], $0x618, $0x38;
	[tilespmem:$0x4380] =	vst v63  }
0x12: {  	s26 =	simm.s32 $0x0;
	s28 =	simm.s32 $0x200  }
.LBB2_2:
0x13: {  	p1 =	sne.s32 s28, $0xEE00;
	[tilespmem:s26+$0x6F0] =	vst v0  }
0x14: {  	[tilespmem:s26+$0x680] =	vst v0  }
0x15: {  	[tilespmem:s26+$0x690] =	vst v0  }
.Ltmp0:
0x16: {  	[tilespmem:s26+$0x6A0] =	vst v0;
	(pc) =	sbr.rel @p1 .LBB2_2-.Ltmp0, $4  }
0x17: {  	[tilespmem:s26+$0x6B0] =	vst v0  }
0x18: {  	[tilespmem:s26+$0x6C0] =	vst v0  }
0x19: {  	[tilespmem:s26+$0x6D0] =	vst v0  }
0x1a: {  	[tilespmem:s26+$0x6E0] =	vst v0;
	s26 =	sshra.s32 s28, $0x2;
	s28 =	sadd.s32 $0x200, s28  }
0x1b: {  	[tilespmem:s26+$0x6F0] =	vst v0  }
0x1c: {  	[tilespmem:s26+$0x680] =	vst v0  }
0x1d: {  	[tilespmem:s26+$0x690] =	vst v0  }
0x1e: {  	[tilespmem:s26+$0x6A0] =	vst v0  }
0x1f: {  	[tilespmem:s26+$0x6B0] =	vst v0  }
0x20: {  	[tilespmem:s26+$0x6C0] =	vst v0  }
0x21: {  	[tilespmem:s26+$0x6D0] =	vst v0  }
0x22: {  	[tilespmem:s26+$0x6E0] =	vst v0  }
0x23: {  	_ =	swait.ge [sflag:s8], $0x618  }
0x24: {  	[sflag:s8] =	ssyncset.done $0x0  }
0x25: {  	[sflag:s8] =	ssyncadd.s32 $0xFFFFF9E8  }
0x26: {  	[tilespmem:s10], [sflag:$0x1] =	stream.indirect.gather.add.f32 [hbm:s1], $0x80, s3, s9, $0xb8;
	[tilespmem:$0x4380] =	vst v63  }
0x27: {  	_ = 	snop  }
0x28: {  	[tilespmem:s10], [sflag:$0x1] =	stream.indirect.gather.add.f32 [hbm:s1], $0x80, s9, s9, $0xb8;
	[tilespmem:$0x4380] =	vst v63  }
0x29: {  	_ = 	snop  }
0x2a: {  	[tilespmem:s10], [sflag:$0x1] =	stream.indirect.gather.add.f32 [hbm:s1], $0x80, s11, s9, $0xb8;
	[tilespmem:$0x4380] =	vst v63  }
0x2b: {  	_ = 	snop  }
0x2c: {  	[tilespmem:s10], [sflag:$0x1] =	stream.indirect.gather.add.f32 [hbm:s1], $0x80, s12, s9, $0xb8;
	[tilespmem:$0x4380] =	vst v63  }
0x2d: {  	_ = 	snop  }
0x2e: {  	[tilespmem:s10], [sflag:$0x1] =	stream.indirect.gather.add.f32 [hbm:s1], $0x80, s13, s9, $0xb8;
	[tilespmem:$0x4380] =	vst v63  }
0x2f: {  	_ = 	snop  }
0x30: {  	[tilespmem:s10], [sflag:$0x1] =	stream.indirect.gather.add.f32 [hbm:s1], $0x80, s14, s9, $0xb8;
	[tilespmem:$0x4380] =	vst v63  }
0x31: {  	_ = 	snop  }
0x32: {  	[tilespmem:s10], [sflag:$0x1] =	stream.indirect.gather.add.f32 [hbm:s1], $0x80, s15, s9, $0xb8;
	[tilespmem:$0x4380] =	vst v63  }
0x33: {  	_ = 	snop  }
0x34: {  	[tilespmem:s10], [sflag:$0x1] =	stream.indirect.gather.add.f32 [hbm:s1], $0x80, s16, s9, $0xb8;
	[tilespmem:$0x4380] =	vst v63  }
0x35: {  	_ = 	snop  }
0x36: {  	[tilespmem:s10], [sflag:$0x1] =	stream.indirect.gather.add.f32 [hbm:s1], $0x80, s17, s9, $0xb8;
	[tilespmem:$0x4380] =	vst v63  }
0x37: {  	_ = 	snop  }
0x38: {  	[tilespmem:s10], [sflag:$0x1] =	stream.indirect.gather.add.f32 [hbm:s1], $0x80, s18, s9, $0xb8;
	[tilespmem:$0x4380] =	vst v63  }
0x39: {  	_ = 	snop  }
0x3a: {  	[tilespmem:s10], [sflag:$0x1] =	stream.indirect.gather.add.f32 [hbm:s1], $0x80, s19, s9, $0xb8;
	[tilespmem:$0x4380] =	vst v63  }
0x3b: {  	_ = 	snop  }
0x3c: {  	[tilespmem:s10], [sflag:$0x1] =	stream.indirect.gather.add.f32 [hbm:s1], $0x80, s20, s9, $0xb8;
	[tilespmem:$0x4380] =	vst v63  }
0x3d: {  	_ = 	snop  }
0x3e: {  	[tilespmem:s10], [sflag:$0x1] =	stream.indirect.gather.add.f32 [hbm:s1], $0x80, s21, s9, $0xb8;
	[tilespmem:$0x4380] =	vst v63  }
0x3f: {  	s26 =	simm.s32 @!p0 $0x0;
	s28 =	simm.s32 @!p0 $0x4280  }
0x40: {  	[tilespmem:s28], [sflag:$0x3] =	stream.linear.gather @!p0 [hbm4b:s5+s26], $0x8, $0x38;
	[tilespmem:$0x4380] =	vst v63  }
0x41: {  	s26 =	simm.s32 @!p0 $0x3  }
0x42: {  	_ =	swait.ge @!p0 [sflag:s26], $0x8  }
0x43: {  	[sflag:s26] =	ssyncset.done @!p0 $0x0  }
0x44: {  	s29 =	simm.s32 @!p0 $0x680;
	[sflag:s26] =	ssyncadd.s32 @!p0 $0xFFFFFFF8;
	s26 =	simm.s32 @!p0 $0x8  }
0x45: {  	[tilespmem:s29], [sflag:$0x2] =	stream.indirect.gather.add.f32 @!p0 [hbm:s1], $0x80, s28, s26, $0xb8;
	[tilespmem:$0x4380] =	vst v63  }
0x46: {  	s26 =	simm.s32 @!p0 $0x2  }
0x47: {  	_ =	swait.ge @!p0 [sflag:s26], $0x400  }
0x48: {  	[sflag:s26] =	ssyncset.done @!p0 $0x0  }
0x49: {  	[sflag:s26] =	ssyncadd.s32 @!p0 $0xFFFFFC00  }
0x4a: {  	_ =	swait.ge [sflag:s22], $0x3C00  }
0x4b: {  	[sflag:s22] =	ssyncset.done $0x0  }
0x4c: {  	[sflag:s22] =	ssyncadd.s32 $0xFFFFC400  }
0x4d: {  	_ =	swait.ge [sflag:s22], $0x3C00  }
0x4e: {  	[sflag:s22] =	ssyncset.done $0x0  }
0x4f: {  	[sflag:s22] =	ssyncadd.s32 $0xFFFFC400  }
0x50: {  	_ =	swait.ge [sflag:s22], $0x3C00  }
0x51: {  	[sflag:s22] =	ssyncset.done $0x0  }
0x52: {  	[sflag:s22] =	ssyncadd.s32 $0xFFFFC400  }
0x53: {  	_ =	swait.ge [sflag:s22], $0x3C00  }
0x54: {  	[sflag:s22] =	ssyncset.done $0x0  }
0x55: {  	[sflag:s22] =	ssyncadd.s32 $0xFFFFC400  }
0x56: {  	_ =	swait.ge [sflag:s22], $0x3C00  }
0x57: {  	[sflag:s22] =	ssyncset.done $0x0  }
0x58: {  	[sflag:s22] =	ssyncadd.s32 $0xFFFFC400  }
0x59: {  	_ =	swait.ge [sflag:s22], $0x3C00  }
0x5a: {  	[sflag:s22] =	ssyncset.done $0x0  }
0x5b: {  	[sflag:s22] =	ssyncadd.s32 $0xFFFFC400  }
0x5c: {  	_ =	swait.ge [sflag:s22], $0x3C00  }
0x5d: {  	[sflag:s22] =	ssyncset.done $0x0  }
0x5e: {  	[sflag:s22] =	ssyncadd.s32 $0xFFFFC400  }
0x5f: {  	_ =	swait.ge [sflag:s22], $0x3C00  }
0x60: {  	[sflag:s22] =	ssyncset.done $0x0  }
0x61: {  	[sflag:s22] =	ssyncadd.s32 $0xFFFFC400  }
0x62: {  	_ =	swait.ge [sflag:s22], $0x3C00  }
0x63: {  	[sflag:s22] =	ssyncset.done $0x0  }
0x64: {  	[sflag:s22] =	ssyncadd.s32 $0xFFFFC400  }
0x65: {  	_ =	swait.ge [sflag:s22], $0x3C00  }
0x66: {  	[sflag:s22] =	ssyncset.done $0x0  }
0x67: {  	[sflag:s22] =	ssyncadd.s32 $0xFFFFC400  }
0x68: {  	_ =	swait.ge [sflag:s22], $0x3C00  }
0x69: {  	[sflag:s22] =	ssyncset.done $0x0  }
0x6a: {  	[sflag:s22] =	ssyncadd.s32 $0xFFFFC400  }
0x6b: {  	_ =	swait.ge [sflag:s22], $0x3C00  }
0x6c: {  	[sflag:s22] =	ssyncset.done $0x0  }
0x6d: {  	[sflag:s22] =	ssyncadd.s32 $0xFFFFC400  }
0x6e: {  	_ =	swait.ge [sflag:s22], $0x3C00  }
0x6f: {  	[sflag:s22] =	ssyncset.done $0x0  }
0x70: {  	s26 =	simm.s32 $0x0;
	[sflag:s22] =	ssyncadd.s32 $0xFFFFC400  }
0x71: {  	v3 =	vld [tilespmem:s26+$0x800]  }
0x72: {  	v5 =	vld [tilespmem:s26+$0x810]  }
0x73: {  	v6 =	vld [tilespmem:s26+$0x820]  }
0x74: {  	v7 =	vld [tilespmem:s26+$0x830]  }
0x75: {  	v1 =	vld [tilespmem:s26+$0x840]  }
0x76: {  	v2 =	vld [tilespmem:s26+$0x850]  }
0x77: {  	v14 =	vld [tilespmem:s26+$0x780]  }
0x78: {  	v16 =	vld [tilespmem:s26+$0x790]  }
0x79: {  	v13 =	vld [tilespmem:s26+$0x7A0]  }
0x7a: {  	v15 =	vld [tilespmem:s26+$0x7B0]  }
0x7b: {  	v4 =	vld [tilespmem:s26+$0x7C0]  }
0x7c: {  	v10 =	vld [tilespmem:s26+$0x700]  }
0x7d: {  	v11 =	vld [tilespmem:s26+$0x710]  }
0x7e: {  	v12 =	vld [tilespmem:s26+$0x680]  }
0x7f: {  	v18 =	vld [tilespmem:s26+$0x690]  }
0x80: {  	v19 =	vld [tilespmem:s26+$0x6A0]  }
0x81: {  	v20 =	vld [tilespmem:s26+$0x6B0]  }
0x82: {  	v21 =	vld [tilespmem:s26+$0x720]  }
0x83: {  	v25 =	vld [tilespmem:s26+$0x730]  }
0x84: {  	v9 =	vimm.f32 $0.0e+00;
	v8 =	vld [tilespmem:s26+$0x7D0]  }
0x85: {  	v17 =	vld [tilespmem:s26+$0x740];
	v12 =	vadd.f32 v12, v9;
	v23 =	vadd.f32 v18, v9  }
0x86: {  	v18 =	vld [tilespmem:s26+$0x750];
	v24 =	vadd.f32 v19, v9;
	v26 =	vadd.f32 v20, v9  }
0x87: {  	v19 =	vld [tilespmem:s26+$0x6C0];
	v22 =	vadd.f32 v10, v12;
	v23 =	vadd.f32 v11, v23  }
0x88: {  	v20 =	vld [tilespmem:s26+$0x6D0];
	v24 =	vadd.f32 v21, v24;
	v25 =	vadd.f32 v25, v26  }
0x89: {  	s28 =	simm.s32 $0x800;
	v21 =	vld [tilespmem:s26+$0x6E0];
	v12 =	vimm.f32 $0.0e+00;
	v11 =	vimm.f32 $0.0e+00;
	v10 =	vimm.f32 $0.0e+00  }
.LBB2_4:
0x8a: {  	p1 =	sne.s32 s28, $0xE800;
	v26 =	vld [tilespmem:s26+$0x6F0];
	v14 =	vadd.f32 v14, v22;
	v16 =	vadd.f32 v16, v23  }
0x8b: {  	v22 =	vld [tilespmem:s26+$0x760];
	v13 =	vadd.f32 v13, v24;
	v15 =	vadd.f32 v15, v25  }
0x8c: {  	v23 =	vld [tilespmem:s26+$0x770];
	v24 =	vadd.f32 v3, v14;
	v25 =	vadd.f32 v5, v16  }
0x8d: {  	v14 =	vld [tilespmem:s26+$0x7E0];
	v27 =	vadd.f32 v6, v13;
	v28 =	vadd.f32 v7, v15  }
0x8e: {  	v3 =	vadd.f32 v19, v9;
	v5 =	vadd.f32 v20, v12;
	v7 =	vld [tilespmem:s26+$0x7F0]  }
0x8f: {  	v6 =	vadd.f32 v21, v11;
	v9 =	vadd.f32 v26, v10;
	v10 =	vld [tilespmem:s26+$0x860]  }
0x90: {  	v11 =	vadd.f32 v17, v3;
	v12 =	vadd.f32 v18, v5;
	v13 =	vld [tilespmem:s26+$0x870];
	s26 =	sshra.s32 s28, $0x2  }
0x91: {  	v15 =	vadd.f32 v22, v6;
	v3 =	vld [tilespmem:s26+$0x800];
	v9 =	vadd.f32 v23, v9  }
0x92: {  	v4 =	vadd.f32 v4, v11;
	v8 =	vadd.f32 v8, v12;
	v5 =	vld [tilespmem:s26+$0x810]  }
0x93: {  	v11 =	vadd.f32 v14, v15;
	v6 =	vld [tilespmem:s26+$0x820];
	v14 =	vadd.f32 v7, v9  }
0x94: {  	v9 =	vadd.f32 v1, v4;
	v12 =	vadd.f32 v2, v8;
	v7 =	vld [tilespmem:s26+$0x830]  }
0x95: {  	v11 =	vadd.f32 v10, v11;
	v1 =	vld [tilespmem:s26+$0x840];
	v10 =	vadd.f32 v13, v14  }
0x96: {  	v2 =	vld [tilespmem:s26+$0x850]  }
0x97: {  	v14 =	vld [tilespmem:s26+$0x780]  }
0x98: {  	v16 =	vld [tilespmem:s26+$0x790]  }
0x99: {  	v13 =	vld [tilespmem:s26+$0x7A0]  }
0x9a: {  	v15 =	vld [tilespmem:s26+$0x7B0]  }
0x9b: {  	v4 =	vld [tilespmem:s26+$0x7C0]  }
0x9c: {  	v8 =	vld [tilespmem:s26+$0x7D0]  }
0x9d: {  	v21 =	vld [tilespmem:s26+$0x700]  }
0x9e: {  	v23 =	vld [tilespmem:s26+$0x710]  }
0x9f: {  	v18 =	vld [tilespmem:s26+$0x680]  }
0xa0: {  	v19 =	vld [tilespmem:s26+$0x690]  }
0xa1: {  	v20 =	vld [tilespmem:s26+$0x6A0]  }
0xa2: {  	v22 =	vld [tilespmem:s26+$0x6B0]  }
0xa3: {  	v26 =	vld [tilespmem:s26+$0x720]  }
0xa4: {  	v29 =	vld [tilespmem:s26+$0x730]  }
.Ltmp1:
0xa5: {  	v17 =	vld [tilespmem:s26+$0x740];
	(pc) =	sbr.rel @p1 .LBB2_4-.Ltmp1, $4  }
0xa6: {  	v24 =	vadd.f32 v18, v24;
	v25 =	vadd.f32 v19, v25;
	v18 =	vld [tilespmem:s26+$0x750]  }
0xa7: {  	v27 =	vadd.f32 v20, v27;
	v28 =	vadd.f32 v22, v28;
	v19 =	vld [tilespmem:s26+$0x6C0]  }
0xa8: {  	v22 =	vadd.f32 v21, v24;
	v23 =	vadd.f32 v23, v25;
	v20 =	vld [tilespmem:s26+$0x6D0]  }
0xa9: {  	s28 =	sadd.s32 $0x800, s28;
	v24 =	vadd.f32 v26, v27;
	v21 =	vld [tilespmem:s26+$0x6E0];
	v25 =	vadd.f32 v29, v28  }
0xaa: {  	v14 =	vadd.f32 v14, v22;
	v16 =	vadd.f32 v16, v23  }
0xab: {  	v26 =	vld [tilespmem:s26+$0x6F0];
	v13 =	vadd.f32 v13, v24;
	v15 =	vadd.f32 v15, v25  }
0xac: {  	v56 =	vld [tilespmem:s26+$0x760];
	v3 =	vadd.f32 v3, v14;
	v5 =	vadd.f32 v5, v16  }
0xad: {  	v57 =	vld [tilespmem:s26+$0x770];
	v9 =	vadd.f32 v19, v9;
	v6 =	vadd.f32 v6, v13  }
0xae: {  	v58 =	vld [tilespmem:s26+$0x7E0];
	v7 =	vadd.f32 v7, v15;
	v12 =	vadd.f32 v20, v12  }
0xaf: {  	v59 =	vld [tilespmem:s26+$0x7F0];
	v11 =	vadd.f32 v21, v11;
	v9 =	vadd.f32 v17, v9  }
0xb0: {  	v60 =	vld [tilespmem:s26+$0x860];
	v10 =	vadd.f32 v26, v10;
	v12 =	vadd.f32 v18, v12  }
0xb1: {  	v61 =	vld [tilespmem:s26+$0x870];
	[tilespmem:$0x4300] =	vst v3;
	v11 =	vadd.f32 v56, v11;
	v4 =	vadd.f32 v4, v9  }
0xb2: {  	[tilespmem:$0x4310] =	vst v5;
	v3 =	vadd.f32 v57, v10;
	v8 =	vadd.f32 v8, v12  }
0xb3: {  	[tilespmem:$0x4320] =	vst v6;
	v62 =	vadd.f32 v58, v11;
	v1 =	vadd.f32 v1, v4  }
0xb4: {  	[tilespmem:$0x4330] =	vst v7;
	v3 =	vadd.f32 v59, v3;
	v2 =	vadd.f32 v2, v8  }
0xb5: {  	v63 =	vadd.f32 v60, v62;
	[tilespmem:$0x4340] =	vst v1  }
0xb6: {  	s25 =	sadd.s32 $0x1, s25;
	v1 =	vadd.f32 v61, v3;
	[tilespmem:$0x4350] =	vst v2  }
0xb7: {  	p1 =	sne.s32 s25, s7;
	[tilespmem:$0x4360] =	vst v63  }
.Ltmp2:
0xb8: {  	[tilespmem:$0x4370] =	vst v1;
	(pc) =	sbr.rel @p1 .LBB2_1-.Ltmp2, $4  }
0xb9: {  	[hbm4b:s6+s3] =	stream.linear.scatter [tilespmem:s23], [sflag:$0x3], $0x80, $0x38;
	[tilespmem:$0x4380] =	vst v63  }
0xba: {  	_ =	swait.ge [sflag:s24], $0x80  }
0xbb: {  	[sflag:s24] =	ssyncset.done $0x0  }
0xbc: {  	[sflag:s24] =	ssyncadd.s32 $0xFFFFFF80  }
0xbd: {  	_ =	sfence.sel $0x180000  }
0xbe: {  	[bflag:$0x0] =	sbarrier.arrive $0xFFFF  }
0xbf: {  	p0 =	sne.s32 s2, $0x0;
	_ =	strace $0x90000047  }
0xc0: {  	s0 =	sadd.s32 @!p0 $0x100000, s0;
	[bflag:$0x2] =	sbarrier.arrive $0xFFFF  }
0xc1: {  	[sflag:s0] =	ssyncadd.tile.s32 @!p0 $0x1;
	_ =	shalt  }
.Lfunc_end2:
_tile_overlayer_lowered:
.L_overlay_start_2:
0xc2: {  	(tag) =	ssettag $0x2  }
0xc3: {  	s0 =	rddreg [dreg:$0x0];
	s2 =	stileid.u32  }
0xc4: {  	s1 =	rddreg [dreg:$0x1];
	p0 =	sne.s32 s2, $0x0  }
0xc5: {  	s3 =	rddreg [dreg:$0x2];
	[bflag:$0x3] =	sbarrier.arrive $0xFFFF;
	s2 =	simm.s32 @!p0 $0x1C03  }
0xc6: {  	[timem:s3], [sflag:s2] =	dma.local @!p0 [hbm:s0], s1  }
0xc7: {  	s0 =	simm.s32 @!p0 $0x3  }
0xc8: {  	_ =	swait.ge @!p0 [sflag:s0], s1  }
0xc9: {  	s1 =	ssub.s32 @!p0 $0x0, s1;
	[sflag:s0] =	ssyncset.done @!p0 $0x0  }
0xca: {  	[sflag:s0] =	ssyncadd.s32 @!p0 s1  }
0xcb: {  	[bflag:$0x3] =	sbarrier.arrive $0xFFFF  }
0xcc: {  	_ =	shalt  }

</sc_bundles>
